<compile_context>
chip_gen: v7x
topology: tpu7x:2x2x1
jax: 0.10.2.dev20260603
libtpu: 0.0.44.dev20260713+nightly
codegen_flags: <defaults>
</compile_context>

<pallas_src>
import functools

import jax
import jax.numpy as jnp
from jax import lax
from jax.experimental import pallas as pl
from jax.experimental.pallas import tpu as pltpu
from jax.experimental.pallas import tpu_sc as plsc

NC = 2
NS = 16
NW = NC * NS
LANES = 16
BLK = 128
CBLKS = 2
CHUNK = BLK * CBLKS
MCAP = 4096
BCAP = 1024
FCAP = 768


def _make_sc_partials(B, D, C):
    full_blocks = C // BLK
    tail_w = C - full_blocks * BLK
    base_blk = full_blocks // NW
    last_blk = full_blocks - (NW - 1) * base_blk
    nchunks = (last_blk + CBLKS - 1) // CBLKS
    tail_bucket = last_blk
    ngroups = B // LANES

    mesh = plsc.VectorSubcoreMesh(core_axis_name="c", subcore_axis_name="s")

    @functools.partial(
        pl.kernel,
        mesh=mesh,
        compiler_params=pltpu.CompilerParams(needs_layout_passes=False),
        out_type=jax.ShapeDtypeStruct((NW, LANES), jnp.float32),
        scratch_types=[
            pltpu.VMEM((B,), jnp.int32),
            pltpu.VMEM((256,), jnp.int32),
            pltpu.VMEM((256,), jnp.int32),
            pltpu.VMEM((256,), jnp.int32),
            pltpu.VMEM((MCAP,), jnp.int32),
            pltpu.VMEM((MCAP,), jnp.int32),
            pltpu.VMEM((D, CHUNK), jnp.float32),
            pltpu.VMEM((D, CHUNK), jnp.float32),
            pltpu.VMEM((FCAP // 2, 2 * D), jnp.float32),
            pltpu.VMEM((D, tail_w), jnp.float32),
            pltpu.VMEM((LANES,), jnp.float32),
            pltpu.VMEM_SHARED((NS, 256), jnp.int32),
            pltpu.VMEM_SHARED((NS, BCAP), jnp.int32),
            pltpu.SMEM((256,), jnp.int32),
            pltpu.SMEM((BCAP,), jnp.int32),
            pltpu.SemaphoreType.DMA,
            pltpu.SemaphoreType.DMA,
            pltpu.SemaphoreType.DMA,
        ],
    )
    def sc_partials(feats_hbm, tgt_hbm, table_hbm, tail_hbm, out_hbm,
                    tgt_v, cnt_v, off_v, placed, matched_t, matched_b,
                    chunk0, chunk1, fstage, tail_v, tot_v,
                    stage_sh, stage_bh, off_s, matched_bs,
                    sem_a, sem_b, sem_f0):
        cid = lax.axis_index("c")
        sid = lax.axis_index("s")
        wid = sid * NC + cid
        is_last = wid == NW - 1

        lo_blk = wid * base_blk
        lo_cls = lo_blk * BLK
        hi_cls = jnp.where(is_last, C, lo_cls + base_blk * BLK)

        pltpu.sync_copy(tgt_hbm, tgt_v)
        pltpu.sync_copy(tail_hbm, tail_v)

        iota = lax.iota(jnp.int32, LANES)
        zeros16i = jnp.zeros((LANES,), jnp.int32)
        ones16i = jnp.ones((LANES,), jnp.int32)

        def zblk(i, _):
            cnt_v[pl.ds(i * LANES, LANES)] = zeros16i
            placed[pl.ds(i * LANES, LANES)] = zeros16i
            return 0

        lax.fori_loop(0, 256 // LANES, zblk, 0)

        def classify(i):
            tv = tgt_v[pl.ds(i * LANES, LANES)]
            m = (tv >= lo_cls) & (tv < hi_cls)
            blk = jnp.where(m, (tv - lo_cls) >> 7, 250)
            return tv, m, blk

        def passa(i, _):
            _, m0, blk0 = classify(2 * i)
            plsc.addupdate_scatter(cnt_v, [blk0], ones16i, mask=m0)
            _, m1, blk1 = classify(2 * i + 1)
            plsc.addupdate_scatter(cnt_v, [blk1], ones16i, mask=m1)
            return 0

        lax.fori_loop(0, ngroups // 2, passa, 0)

        def prefix(i, carry):
            c16 = cnt_v[pl.ds(i * LANES, LANES)]
            inc = plsc.cumsum(c16)
            off_v[pl.ds(i * LANES, LANES)] = inc - c16 + carry
            return carry + jnp.sum(c16)

        lax.fori_loop(0, 256 // LANES, prefix, jnp.int32(0))

        def passb(i, _):
            tv, m, blk = classify(i)
            bv = iota + i * LANES
            cur = plsc.load_gather(placed, [blk])
            rank, _ = plsc.scan_count(blk, mask=m)
            base = plsc.load_gather(off_v, [blk])
            pos = base + cur + rank - 1
            pos = jnp.clip(pos, 0, MCAP - 1)
            plsc.store_scatter(matched_t, [pos], tv, mask=m)
            plsc.store_scatter(matched_b, [pos], bv, mask=m)
            plsc.addupdate_scatter(placed, [blk], ones16i, mask=m)
            return 0

        lax.fori_loop(0, ngroups, passb, 0)

        plsc.subcore_barrier()
        pltpu.sync_copy(off_v, stage_sh.at[sid])
        pltpu.sync_copy(stage_sh.at[sid], off_s)
        pltpu.sync_copy(matched_b.at[pl.ds(0, BCAP)], stage_bh.at[sid])
        pltpu.sync_copy(stage_bh.at[sid], matched_bs)

        total = jnp.zeros((LANES,), jnp.float32)

        n_all = jnp.minimum(off_s[249], FCAP)

        def frow_fire(k, _):
            @pl.when(k < n_all)
            def _():
                b = jnp.clip(matched_bs[jnp.clip(k, 0, BCAP - 1)], 0, B - 1)
                pltpu.async_copy(
                    feats_hbm.at[b],
                    fstage.at[k >> 1, pl.ds((k & 1) * D, D)],
                    sem_f0,
                )

            return 0

        lax.fori_loop(0, FCAP, frow_fire, 0)

        def frow_drain(k, _):
            @pl.when(k < n_all)
            def _():
                pltpu.make_async_copy(
                    feats_hbm.at[0],
                    fstage.at[k >> 1, pl.ds((k & 1) * D, D)],
                    sem_f0,
                ).wait()

            return 0

        lax.fori_loop(0, FCAP, frow_drain, 0)

        def span_compute(js, je, src_buf, col0, total, width=CHUNK):
            def grp(g, tot):
                jb = js + g * LANES
                mask = iota < (je - jb)
                jv = jnp.clip(iota + jb, 0, FCAP - 1)
                tv = plsc.load_gather(matched_t, [jnp.clip(iota + jb, 0, MCAP - 1)])
                colv = jnp.clip(jnp.where(mask, tv - col0, 0), 0, width - 1)
                frow = jv >> 1
                fcol0 = (jv & 1) * D

                def col(d, acc):
                    dv = jnp.full((LANES,), 2 * d, jnp.int32)
                    dv1 = dv + 1
                    cv = plsc.load_gather(src_buf, [dv, colv])
                    fv = plsc.load_gather(fstage, [frow, fcol0 + dv])
                    df = fv - cv
                    cv1 = plsc.load_gather(src_buf, [dv1, colv])
                    fv1 = plsc.load_gather(fstage, [frow, fcol0 + dv1])
                    df1 = fv1 - cv1
                    return acc + df * df + df1 * df1

                acc = lax.fori_loop(
                    0, D // 2, col, jnp.zeros((LANES,), jnp.float32)
                )
                dist = jnp.clip(acc, 1e-12, 1e12)
                return tot + jnp.where(mask, dist, 0.0)

            ng = (je - js + LANES - 1) // LANES
            return lax.fori_loop(0, ng, grp, total)

        def span(c):
            return off_s[c * CBLKS], off_s[(c + 1) * CBLKS]

        def fire_d(c, buf, sem):
            pltpu.async_copy(
                table_hbm.at[:, pl.ds(lo_cls + c * CHUNK, CHUNK)], buf, sem
            )

        def wait_d(c, buf, sem):
            pltpu.make_async_copy(
                table_hbm.at[:, pl.ds(lo_cls + c * CHUNK, CHUNK)], buf, sem
            ).wait()

        def do_chunk(c, buf, total):
            js, je = span(c)
            return span_compute(js, je, buf, lo_cls + c * CHUNK, total)

        fire_d(0, chunk0, sem_a)

        def pair(i, total):
            c = 2 * i
            fire_d(c + 1, chunk1, sem_b)
            wait_d(c, chunk0, sem_a)
            total = do_chunk(c, chunk0, total)
            fire_d(c + 2, chunk0, sem_a)
            wait_d(c + 1, chunk1, sem_b)
            return do_chunk(c + 1, chunk1, total)

        total = lax.fori_loop(0, nchunks // 2 - 1, pair, total)
        fire_d(nchunks - 1, chunk1, sem_b)
        wait_d(nchunks - 2, chunk0, sem_a)
        total = do_chunk(nchunks - 2, chunk0, total)
        wait_d(nchunks - 1, chunk1, sem_b)
        total = do_chunk(nchunks - 1, chunk1, total)

        jt0 = off_s[tail_bucket]
        jt1 = jnp.where(is_last, off_s[tail_bucket + 1], jt0)
        total = span_compute(
            jt0, jt1, tail_v, full_blocks * BLK, total, width=tail_w
        )

        tot_v[...] = total
        pltpu.sync_copy(tot_v, out_hbm.at[wid])

    return sc_partials


def kernel(feats, targets, centers):
    B, D = feats.shape
    C = centers.shape[0]
    full_blocks = C // BLK
    tail_start = full_blocks * BLK

    tgt_r = targets.astype(jnp.int32)
    centers_t = centers.T
    tail = centers_t[:, tail_start:]

    partials = _make_sc_partials(B, D, C)(feats, tgt_r, centers_t, tail)

    def tc_reduce(p_ref, o_ref):
        s = 0.5 * jnp.sum(p_ref[...]) * (1.0 / B)
        o_ref[...] = jnp.broadcast_to(s, (1, 1))

    loss = pl.pallas_call(
        tc_reduce,
        out_shape=jax.ShapeDtypeStruct((1, 1), jnp.float32),
    )(partials)
    return loss[0, 0]

# --- scband reference (transcript-rebuilt; emitter-appended) ---
"""Pipeline reference for scband-center-loss-26001732010265 (READ-ONLY COPY).

The authoritative reference and input builder live on the scoring server;
editing this copy changes nothing except your own understanding.
"""

import jax, jax.numpy as jnp
import numpy as np

NUM_CLASSES = 1000000
FEAT_DIM = 64
BATCH = 16384


def setup_inputs(seed: int = 0) -> dict:
    key = jax.random.key(seed)
    k1, k2, k3 = jax.random.split(key, 3)
    feats = jax.random.normal(k1, (BATCH, FEAT_DIM), dtype=jnp.float32)
    targets = jax.random.randint(k2, (BATCH,), 0, NUM_CLASSES, dtype=jnp.int64)
    centers = jax.random.normal(k3, (NUM_CLASSES, FEAT_DIM), dtype=jnp.float32)
    return {"feats": feats, "targets": targets, "centers": centers}


def reference(feats, targets, centers):
    # margin == -1 path of CenterLoss.forward (weight is None)
    center = jnp.take(centers, targets, axis=0)  # gather rows: [B, feat_dim]
    dist = jnp.sum((feats - center) ** 2, axis=-1)  # [B]
    loss = 0.5 * jnp.mean(jnp.clip(dist, 1e-12, 1000000000000.0), axis=-1)
    return loss

if __name__ == "__main__":
    import jax
    _d = setup_inputs()
    print(jax.jit(kernel)(*tuple(_d.values())))

</pallas_src>

<mosaic_0001>
#map = affine_map<(d0, d1) -> (0, 0)>
#map1 = affine_map<(d0, d1) -> (0)>
module attributes {stable_mosaic.version = 14 : i64} {
  func.func @sc_partials(%arg0: i32, %arg1: i32, %arg2: memref<16384x64xf32, #tpu.memory_space<hbm>>, %arg3: memref<16384xi32, #tpu.memory_space<hbm>>, %arg4: memref<64x1000000xf32, #tpu.memory_space<hbm>>, %arg5: memref<64x64xf32, #tpu.memory_space<hbm>>, %arg6: memref<32x16xf32, #tpu.memory_space<hbm>>, %arg7: memref<16384xi32, #tpu.memory_space<vmem>>, %arg8: memref<256xi32, #tpu.memory_space<vmem>>, %arg9: memref<256xi32, #tpu.memory_space<vmem>>, %arg10: memref<256xi32, #tpu.memory_space<vmem>>, %arg11: memref<4096xi32, #tpu.memory_space<vmem>>, %arg12: memref<4096xi32, #tpu.memory_space<vmem>>, %arg13: memref<64x256xf32, #tpu.memory_space<vmem>>, %arg14: memref<64x256xf32, #tpu.memory_space<vmem>>, %arg15: memref<384x128xf32, #tpu.memory_space<vmem>>, %arg16: memref<64x64xf32, #tpu.memory_space<vmem>>, %arg17: memref<16xf32, #tpu.memory_space<vmem>>, %arg18: memref<16x256xi32, #tpu.memory_space<vmem_shared>>, %arg19: memref<16x1024xi32, #tpu.memory_space<vmem_shared>>, %arg20: memref<256xi32, #tpu.memory_space<smem>>, %arg21: memref<1024xi32, #tpu.memory_space<smem>>, %arg22: memref<!tpu.dma_semaphore, #tpu.memory_space<semaphore_mem>>, %arg23: memref<!tpu.dma_semaphore, #tpu.memory_space<semaphore_mem>>, %arg24: memref<!tpu.dma_semaphore, #tpu.memory_space<semaphore_mem>>) attributes {dimension_semantics = [#tpu.dimension_semantics<core_parallel>, #tpu.dimension_semantics<subcore_parallel>], iteration_bounds = array<i64: 2, 16>, scalar_prefetch = 0 : i64, scratch_operands = 18 : i64, tpu.core_type = #tpu.core_type<sc_vector_subcore>, window_params = [{transform_indices = #map}, {transform_indices = #map1}, {transform_indices = #map}, {transform_indices = #map}, {transform_indices = #map}]} {
    %mul3A = arith.constant 2 : i32
    %mul3A_0 = arith.muli %arg1, %mul3A : i32
    %add3A = arith.addi %mul3A_0, %arg0 : i32
    %eq3A = arith.constant 31 : i32
    %eq3A_1 = arith.cmpi eq, %add3A, %eq3A : i32
    %mul3A_2 = arith.constant 244 : i32
    %mul3A_3 = arith.muli %add3A, %mul3A_2 : i32
    %mul3A_4 = arith.constant 128 : i32
    %mul3A_5 = arith.muli %mul3A_3, %mul3A_4 : i32
    %add3A_6 = arith.constant 31232 : i32
    %add3A_7 = arith.addi %mul3A_5, %add3A_6 : i32
    %jit3A = arith.constant 1000000 : i32
    %select_n3A = arith.select %eq3A_1, %jit3A, %add3A_7 : i32
    "tpu.region"() ({
      %run_scoped3A = tpu.sem_alloc : memref<!tpu.dma_semaphore, #tpu.memory_space<semaphore_mem>>
      tpu.enqueue_dma source(%arg3 : memref<16384xi32, #tpu.memory_space<hbm>>) target(%arg7 : memref<16384xi32, #tpu.memory_space<vmem>>) target_semaphore(%run_scoped3A : memref<!tpu.dma_semaphore, #tpu.memory_space<semaphore_mem>>)
      tpu.wait_dma2 semaphore(%run_scoped3A : memref<!tpu.dma_semaphore, #tpu.memory_space<semaphore_mem>>) src(%arg3 : memref<16384xi32, #tpu.memory_space<hbm>>) dst(%arg7 : memref<16384xi32, #tpu.memory_space<vmem>>)
      tpu.yield
    }) : () -> ()
    "tpu.region"() ({
      %run_scoped3A = tpu.sem_alloc : memref<!tpu.dma_semaphore, #tpu.memory_space<semaphore_mem>>
      tpu.enqueue_dma source(%arg5 : memref<64x64xf32, #tpu.memory_space<hbm>>) target(%arg16 : memref<64x64xf32, #tpu.memory_space<vmem>>) target_semaphore(%run_scoped3A : memref<!tpu.dma_semaphore, #tpu.memory_space<semaphore_mem>>)
      tpu.wait_dma2 semaphore(%run_scoped3A : memref<!tpu.dma_semaphore, #tpu.memory_space<semaphore_mem>>) src(%arg5 : memref<64x64xf32, #tpu.memory_space<hbm>>) dst(%arg16 : memref<64x64xf32, #tpu.memory_space<vmem>>)
      tpu.yield
    }) : () -> ()
    %iota3A = tpu.iota {dimensions = array<i32: 0>} : vector<16xi32>
    %broadcast_in_dim3A = arith.constant 0 : i32
    %broadcast_in_dim3A_8 = vector.broadcast %broadcast_in_dim3A : i32 to vector<16xi32>
    %broadcast_in_dim3A_9 = arith.constant 1 : i32
    %broadcast_in_dim3A_10 = vector.broadcast %broadcast_in_dim3A_9 : i32 to vector<16xi32>
    %scan3A = arith.constant 0 : i32
    %scan3A_11 = arith.constant 0 : i32
    %scan3A_12 = arith.constant 16 : i32
    %scan3A_13 = arith.addi %scan3A_11, %scan3A_12 : i32
    %scan3A_14 = arith.constant 1 : i32
    %scan3A_15 = scf.for %scan3A_222 = %scan3A_11 to %scan3A_13 step %scan3A_14 iter_args(%scan3A_223 = %scan3A) -> (i32)  : i32 {
      %mul3A_224 = arith.constant 16 : i32
      %mul3A_225 = arith.muli %scan3A_222, %mul3A_224 : i32
      %swap3A_226 = arith.index_cast %mul3A_225 : i32 to index
      %swap3A_227 = tpu.vector_load %arg8[%swap3A_226] {strides = array<i32>} : memref<256xi32, #tpu.memory_space<vmem>>, vector<16xi32>,
      tpu.vector_store %arg8[%swap3A_226], %broadcast_in_dim3A_8 {strides = array<i32>} : memref<256xi32, #tpu.memory_space<vmem>>, vector<16xi32>,
      %mul3A_228 = arith.constant 16 : i32
      %mul3A_229 = arith.muli %scan3A_222, %mul3A_228 : i32
      %swap3A_230 = arith.index_cast %mul3A_229 : i32 to index
      %swap3A_231 = tpu.vector_load %arg10[%swap3A_230] {strides = array<i32>} : memref<256xi32, #tpu.memory_space<vmem>>, vector<16xi32>,
      tpu.vector_store %arg10[%swap3A_230], %broadcast_in_dim3A_8 {strides = array<i32>} : memref<256xi32, #tpu.memory_space<vmem>>, vector<16xi32>,
      %scan3A_232 = arith.constant 0 : i32
      scf.yield %scan3A_232 : i32
    }
    %scan3A_16 = arith.constant 16 : i32
    %scan3A_17 = arith.constant 0 : i32
    %scan3A_18 = arith.constant 0 : i32
    %scan3A_19 = arith.constant 512 : i32
    %scan3A_20 = arith.addi %scan3A_18, %scan3A_19 : i32
    %scan3A_21 = arith.constant 1 : i32
    %scan3A_22 = scf.for %scan3A_222 = %scan3A_18 to %scan3A_20 step %scan3A_21 iter_args(%scan3A_223 = %scan3A_17) -> (i32)  : i32 {
      %mul3A_224 = arith.constant 2 : i32
      %mul3A_225 = arith.muli %mul3A_224, %scan3A_222 : i32
      %mul3A_226 = arith.constant 16 : i32
      %mul3A_227 = arith.muli %mul3A_225, %mul3A_226 : i32
      %get3A_228 = arith.index_cast %mul3A_227 : i32 to index
      %get3A_229 = tpu.vector_load %arg7[%get3A_228] {strides = array<i32>} : memref<16384xi32, #tpu.memory_space<vmem>>, vector<16xi32>,
      %ge3A = vector.broadcast %mul3A_5 : i32 to vector<16xi32>
      %ge3A_230 = arith.cmpi sge, %get3A_229, %ge3A : vector<16xi32>
      %lt3A = vector.broadcast %select_n3A : i32 to vector<16xi32>
      %lt3A_231 = arith.cmpi slt, %get3A_229, %lt3A : vector<16xi32>
      %and3A_232 = arith.andi %ge3A_230, %lt3A_231 : vector<16xi1>
      %sub3A_233 = vector.broadcast %mul3A_5 : i32 to vector<16xi32>
      %sub3A_234 = arith.subi %get3A_229, %sub3A_233 : vector<16xi32>
      %shift_right_arithmetic3A = arith.constant 7 : i32
      %shift_right_arithmetic3A_235 = vector.broadcast %shift_right_arithmetic3A : i32 to vector<16xi32>
      %shift_right_arithmetic3A_236 = arith.shrsi %sub3A_234, %shift_right_arithmetic3A_235 : vector<16xi32>
      %jit3A_237 = arith.constant 250 : i32
      %broadcast_in_dim3A_238 = vector.broadcast %jit3A_237 : i32 to vector<16xi32>
      %select_n3A_239 = arith.select %and3A_232, %shift_right_arithmetic3A_236, %broadcast_in_dim3A_238 : vector<16xi1>, vector<16xi32>
      tpu.vector_store_idx %arg8[%select_n3A_239], %broadcast_in_dim3A_10 masked %and3A_232 {add = true} : memref<256xi32, #tpu.memory_space<vmem>>[vector<16xi32>], vector<16xi32>, vector<16xi1>
      %mul3A_240 = arith.constant 2 : i32
      %mul3A_241 = arith.muli %mul3A_240, %scan3A_222 : i32
      %add3A_242 = arith.constant 1 : i32
      %add3A_243 = arith.addi %mul3A_241, %add3A_242 : i32
      %mul3A_244 = arith.constant 16 : i32
      %mul3A_245 = arith.muli %add3A_243, %mul3A_244 : i32
      %get3A_246 = arith.index_cast %mul3A_245 : i32 to index
      %get3A_247 = tpu.vector_load %arg7[%get3A_246] {strides = array<i32>} : memref<16384xi32, #tpu.memory_space<vmem>>, vector<16xi32>,
      %ge3A_248 = vector.broadcast %mul3A_5 : i32 to vector<16xi32>
      %ge3A_249 = arith.cmpi sge, %get3A_247, %ge3A_248 : vector<16xi32>
      %lt3A_250 = vector.broadcast %select_n3A : i32 to vector<16xi32>
      %lt3A_251 = arith.cmpi slt, %get3A_247, %lt3A_250 : vector<16xi32>
      %and3A_252 = arith.andi %ge3A_249, %lt3A_251 : vector<16xi1>
      %sub3A_253 = vector.broadcast %mul3A_5 : i32 to vector<16xi32>
      %sub3A_254 = arith.subi %get3A_247, %sub3A_253 : vector<16xi32>
      %shift_right_arithmetic3A_255 = arith.constant 7 : i32
      %shift_right_arithmetic3A_256 = vector.broadcast %shift_right_arithmetic3A_255 : i32 to vector<16xi32>
      %shift_right_arithmetic3A_257 = arith.shrsi %sub3A_254, %shift_right_arithmetic3A_256 : vector<16xi32>
      %jit3A_258 = arith.constant 250 : i32
      %broadcast_in_dim3A_259 = vector.broadcast %jit3A_258 : i32 to vector<16xi32>
      %select_n3A_260 = arith.select %and3A_252, %shift_right_arithmetic3A_257, %broadcast_in_dim3A_259 : vector<16xi1>, vector<16xi32>
      tpu.vector_store_idx %arg8[%select_n3A_260], %broadcast_in_dim3A_10 masked %and3A_252 {add = true} : memref<256xi32, #tpu.memory_space<vmem>>[vector<16xi32>], vector<16xi32>, vector<16xi1>
      %scan3A_261 = arith.constant 0 : i32
      scf.yield %scan3A_261 : i32
    }
    %scan3A_23 = arith.constant 512 : i32
    %scan3A_24 = arith.constant 0 : i32
    %scan3A_25 = arith.constant 0 : i32
    %scan3A_26 = arith.constant 16 : i32
    %scan3A_27 = arith.addi %scan3A_25, %scan3A_26 : i32
    %scan3A_28 = arith.constant 1 : i32
    %scan3A_29 = scf.for %scan3A_222 = %scan3A_25 to %scan3A_27 step %scan3A_28 iter_args(%scan3A_223 = %scan3A_24) -> (i32)  : i32 {
      %mul3A_224 = arith.constant 16 : i32
      %mul3A_225 = arith.muli %scan3A_222, %mul3A_224 : i32
      %get3A_226 = arith.index_cast %mul3A_225 : i32 to index
      %get3A_227 = tpu.vector_load %arg8[%get3A_226] {strides = array<i32>} : memref<256xi32, #tpu.memory_space<vmem>>, vector<16xi32>,
      %broadcast_in_dim3A_228 = arith.constant true
      %broadcast_in_dim3A_229 = vector.broadcast %broadcast_in_dim3A_228 : i1 to vector<16xi1>
      %masked_cumsum3A = tpu.scan <sum>, %get3A_227 masked %broadcast_in_dim3A_229 : vector<16xi32>, vector<16xi1> -> vector<16xi32>
      %sub3A_230 = arith.subi %masked_cumsum3A, %get3A_227 : vector<16xi32>
      %add3A_231 = vector.broadcast %scan3A_223 : i32 to vector<16xi32>
      %add3A_232 = arith.addi %sub3A_230, %add3A_231 : vector<16xi32>
      %mul3A_233 = arith.constant 16 : i32
      %mul3A_234 = arith.muli %scan3A_222, %mul3A_233 : i32
      %swap3A_235 = arith.index_cast %mul3A_234 : i32 to index
      %swap3A_236 = tpu.vector_load %arg9[%swap3A_235] {strides = array<i32>} : memref<256xi32, #tpu.memory_space<vmem>>, vector<16xi32>,
      tpu.vector_store %arg9[%swap3A_235], %add3A_232 {strides = array<i32>} : memref<256xi32, #tpu.memory_space<vmem>>, vector<16xi32>,
      %reduce_sum3A = arith.constant true
      %reduce_sum3A_237 = vector.broadcast %reduce_sum3A : i1 to vector<16xi1>
      %reduce_sum3A_238 = tpu.scan <sum>, %get3A_227 masked %reduce_sum3A_237 : vector<16xi32>, vector<16xi1> -> vector<16xi32>
      %reduce_sum3A_239 = vector.extract %reduce_sum3A_238[15] : i32 from vector<16xi32>
      %add3A_240 = arith.addi %scan3A_223, %reduce_sum3A_239 : i32
      scf.yield %add3A_240 : i32
    }
    %scan3A_30 = arith.constant 16 : i32
    %scan3A_31 = arith.constant 0 : i32
    %scan3A_32 = arith.constant 0 : i32
    %scan3A_33 = arith.constant 1024 : i32
    %scan3A_34 = arith.addi %scan3A_32, %scan3A_33 : i32
    %scan3A_35 = arith.constant 1 : i32
    %scan3A_36 = scf.for %scan3A_222 = %scan3A_32 to %scan3A_34 step %scan3A_35 iter_args(%scan3A_223 = %scan3A_31) -> (i32)  : i32 {
      %mul3A_224 = arith.constant 16 : i32
      %mul3A_225 = arith.muli %scan3A_222, %mul3A_224 : i32
      %get3A_226 = arith.index_cast %mul3A_225 : i32 to index
      %get3A_227 = tpu.vector_load %arg7[%get3A_226] {strides = array<i32>} : memref<16384xi32, #tpu.memory_space<vmem>>, vector<16xi32>,
      %ge3A = vector.broadcast %mul3A_5 : i32 to vector<16xi32>
      %ge3A_228 = arith.cmpi sge, %get3A_227, %ge3A : vector<16xi32>
      %lt3A = vector.broadcast %select_n3A : i32 to vector<16xi32>
      %lt3A_229 = arith.cmpi slt, %get3A_227, %lt3A : vector<16xi32>
      %and3A_230 = arith.andi %ge3A_228, %lt3A_229 : vector<16xi1>
      %sub3A_231 = vector.broadcast %mul3A_5 : i32 to vector<16xi32>
      %sub3A_232 = arith.subi %get3A_227, %sub3A_231 : vector<16xi32>
      %shift_right_arithmetic3A = arith.constant 7 : i32
      %shift_right_arithmetic3A_233 = vector.broadcast %shift_right_arithmetic3A : i32 to vector<16xi32>
      %shift_right_arithmetic3A_234 = arith.shrsi %sub3A_232, %shift_right_arithmetic3A_233 : vector<16xi32>
      %jit3A_235 = arith.constant 250 : i32
      %broadcast_in_dim3A_236 = vector.broadcast %jit3A_235 : i32 to vector<16xi32>
      %select_n3A_237 = arith.select %and3A_230, %shift_right_arithmetic3A_234, %broadcast_in_dim3A_236 : vector<16xi1>, vector<16xi32>
      %mul3A_238 = arith.constant 16 : i32
      %mul3A_239 = arith.muli %scan3A_222, %mul3A_238 : i32
      %add3A_240 = vector.broadcast %mul3A_239 : i32 to vector<16xi32>
      %add3A_241 = arith.addi %iota3A, %add3A_240 : vector<16xi32>
      %gather3A = tpu.vector_load_idx %arg10[%select_n3A_237] : memref<256xi32, #tpu.memory_space<vmem>>[vector<16xi32>], vector<16xi32>,
      %unique3A, %unique3A_242 = tpu.scan_count mask(%and3A_230 : vector<16xi1>) value(%select_n3A_237 : vector<16xi32>) : vector<16xi1>, vector<16xi32>
      %gather3A_243 = tpu.vector_load_idx %arg9[%select_n3A_237] : memref<256xi32, #tpu.memory_space<vmem>>[vector<16xi32>], vector<16xi32>,
      %add3A_244 = arith.addi %gather3A_243, %gather3A : vector<16xi32>
      %add3A_245 = arith.addi %add3A_244, %unique3A_242 : vector<16xi32>
      %sub3A_246 = arith.constant 1 : i32
      %sub3A_247 = vector.broadcast %sub3A_246 : i32 to vector<16xi32>
      %sub3A_248 = arith.subi %add3A_245, %sub3A_247 : vector<16xi32>
      %jit3A_249 = arith.constant 0 : i32
      %jit3A_250 = arith.constant 4095 : i32
      %max3A = vector.broadcast %jit3A_249 : i32 to vector<16xi32>
      %max3A_251 = arith.maxsi %max3A, %sub3A_248 : vector<16xi32>
      %min3A_252 = vector.broadcast %jit3A_250 : i32 to vector<16xi32>
      %min3A_253 = arith.minsi %min3A_252, %max3A_251 : vector<16xi32>
      tpu.vector_store_idx %arg11[%min3A_253], %get3A_227 masked %and3A_230 : memref<4096xi32, #tpu.memory_space<vmem>>[vector<16xi32>], vector<16xi32>, vector<16xi1>
      tpu.vector_store_idx %arg12[%min3A_253], %add3A_241 masked %and3A_230 : memref<4096xi32, #tpu.memory_space<vmem>>[vector<16xi32>], vector<16xi32>, vector<16xi1>
      tpu.vector_store_idx %arg10[%select_n3A_237], %broadcast_in_dim3A_10 masked %and3A_230 {add = true} : memref<256xi32, #tpu.memory_space<vmem>>[vector<16xi32>], vector<16xi32>, vector<16xi1>
      %scan3A_254 = arith.constant 0 : i32
      scf.yield %scan3A_254 : i32
    }
    %scan3A_37 = arith.constant 1024 : i32
    %barrier3A = arith.constant 0 : index
    tpu.barrier barrier_id(%barrier3A)
    "tpu.region"() ({
      %run_scoped3A = tpu.sem_alloc : memref<!tpu.dma_semaphore, #tpu.memory_space<semaphore_mem>>
      %dma_start3A_222 = arith.constant 0 : i32
      %dma_start3A_223 = tpu.memref_slice %arg18[%arg1, %dma_start3A_222] : memref<16x256xi32, #tpu.memory_space<vmem_shared>> -> memref<1x256xi32, #tpu.memory_space<vmem_shared>>
      %dma_start3A_224 = tpu.memref_squeeze %dma_start3A_223 : memref<1x256xi32, #tpu.memory_space<vmem_shared>> -> memref<256xi32, #tpu.memory_space<vmem_shared>>
      %dma_start3A_225 = arith.constant 0 : i32
      %dma_start3A_226 = tpu.memref_slice %arg18[%arg1, %dma_start3A_225] : memref<16x256xi32, #tpu.memory_space<vmem_shared>> -> memref<1x256xi32, #tpu.memory_space<vmem_shared>>
      %dma_start3A_227 = tpu.memref_squeeze %dma_start3A_226 : memref<1x256xi32, #tpu.memory_space<vmem_shared>> -> memref<256xi32, #tpu.memory_space<vmem_shared>>
      tpu.enqueue_dma source(%arg9 : memref<256xi32, #tpu.memory_space<vmem>>) target(%dma_start3A_227 : memref<256xi32, #tpu.memory_space<vmem_shared>>) target_semaphore(%run_scoped3A : memref<!tpu.dma_semaphore, #tpu.memory_space<semaphore_mem>>)
      %dma_wait3A_228 = arith.constant 0 : i32
      %dma_wait3A_229 = tpu.memref_slice %arg18[%arg1, %dma_wait3A_228] : memref<16x256xi32, #tpu.memory_space<vmem_shared>> -> memref<1x256xi32, #tpu.memory_space<vmem_shared>>
      %dma_wait3A_230 = tpu.memref_squeeze %dma_wait3A_229 : memref<1x256xi32, #tpu.memory_space<vmem_shared>> -> memref<256xi32, #tpu.memory_space<vmem_shared>>
      %dma_wait3A_231 = arith.constant 0 : i32
      %dma_wait3A_232 = tpu.memref_slice %arg18[%arg1, %dma_wait3A_231] : memref<16x256xi32, #tpu.memory_space<vmem_shared>> -> memref<1x256xi32, #tpu.memory_space<vmem_shared>>
      %dma_wait3A_233 = tpu.memref_squeeze %dma_wait3A_232 : memref<1x256xi32, #tpu.memory_space<vmem_shared>> -> memref<256xi32, #tpu.memory_space<vmem_shared>>
      tpu.wait_dma2 semaphore(%run_scoped3A : memref<!tpu.dma_semaphore, #tpu.memory_space<semaphore_mem>>) src(%arg9 : memref<256xi32, #tpu.memory_space<vmem>>) dst(%dma_wait3A_233 : memref<256xi32, #tpu.memory_space<vmem_shared>>)
      tpu.yield
    }) : () -> ()
    "tpu.region"() ({
      %run_scoped3A = tpu.sem_alloc : memref<!tpu.dma_semaphore, #tpu.memory_space<semaphore_mem>>
      %dma_start3A_222 = arith.constant 0 : i32
      %dma_start3A_223 = tpu.memref_slice %arg18[%arg1, %dma_start3A_222] : memref<16x256xi32, #tpu.memory_space<vmem_shared>> -> memref<1x256xi32, #tpu.memory_space<vmem_shared>>
      %dma_start3A_224 = tpu.memref_squeeze %dma_start3A_223 : memref<1x256xi32, #tpu.memory_space<vmem_shared>> -> memref<256xi32, #tpu.memory_space<vmem_shared>>
      tpu.enqueue_dma source(%dma_start3A_224 : memref<256xi32, #tpu.memory_space<vmem_shared>>) target(%arg20 : memref<256xi32, #tpu.memory_space<smem>>) target_semaphore(%run_scoped3A : memref<!tpu.dma_semaphore, #tpu.memory_space<semaphore_mem>>)
      %dma_wait3A_225 = arith.constant 0 : i32
      %dma_wait3A_226 = tpu.memref_slice %arg18[%arg1, %dma_wait3A_225] : memref<16x256xi32, #tpu.memory_space<vmem_shared>> -> memref<1x256xi32, #tpu.memory_space<vmem_shared>>
      %dma_wait3A_227 = tpu.memref_squeeze %dma_wait3A_226 : memref<1x256xi32, #tpu.memory_space<vmem_shared>> -> memref<256xi32, #tpu.memory_space<vmem_shared>>
      tpu.wait_dma2 semaphore(%run_scoped3A : memref<!tpu.dma_semaphore, #tpu.memory_space<semaphore_mem>>) src(%dma_wait3A_227 : memref<256xi32, #tpu.memory_space<vmem_shared>>) dst(%arg20 : memref<256xi32, #tpu.memory_space<smem>>)
      tpu.yield
    }) : () -> ()
    "tpu.region"() ({
      %run_scoped3A = tpu.sem_alloc : memref<!tpu.dma_semaphore, #tpu.memory_space<semaphore_mem>>
      %dma_start3A_222 = arith.constant 0 : i32
      %dma_start3A_223 = tpu.memref_slice %arg12[%dma_start3A_222] : memref<4096xi32, #tpu.memory_space<vmem>> -> memref<1024xi32, #tpu.memory_space<vmem>>
      %dma_start3A_224 = arith.constant 0 : i32
      %dma_start3A_225 = tpu.memref_slice %arg19[%arg1, %dma_start3A_224] : memref<16x1024xi32, #tpu.memory_space<vmem_shared>> -> memref<1x1024xi32, #tpu.memory_space<vmem_shared>>
      %dma_start3A_226 = tpu.memref_squeeze %dma_start3A_225 : memref<1x1024xi32, #tpu.memory_space<vmem_shared>> -> memref<1024xi32, #tpu.memory_space<vmem_shared>>
      %dma_start3A_227 = arith.constant 0 : i32
      %dma_start3A_228 = tpu.memref_slice %arg19[%arg1, %dma_start3A_227] : memref<16x1024xi32, #tpu.memory_space<vmem_shared>> -> memref<1x1024xi32, #tpu.memory_space<vmem_shared>>
      %dma_start3A_229 = tpu.memref_squeeze %dma_start3A_228 : memref<1x1024xi32, #tpu.memory_space<vmem_shared>> -> memref<1024xi32, #tpu.memory_space<vmem_shared>>
      %dma_start3A_230 = arith.constant 0 : i32
      %dma_start3A_231 = tpu.memref_slice %arg12[%dma_start3A_230] : memref<4096xi32, #tpu.memory_space<vmem>> -> memref<1024xi32, #tpu.memory_space<vmem>>
      tpu.enqueue_dma source(%dma_start3A_231 : memref<1024xi32, #tpu.memory_space<vmem>>) target(%dma_start3A_229 : memref<1024xi32, #tpu.memory_space<vmem_shared>>) target_semaphore(%run_scoped3A : memref<!tpu.dma_semaphore, #tpu.memory_space<semaphore_mem>>)
      %dma_wait3A_232 = arith.constant 0 : i32
      %dma_wait3A_233 = tpu.memref_slice %arg12[%dma_wait3A_232] : memref<4096xi32, #tpu.memory_space<vmem>> -> memref<1024xi32, #tpu.memory_space<vmem>>
      %dma_wait3A_234 = arith.constant 0 : i32
      %dma_wait3A_235 = tpu.memref_slice %arg19[%arg1, %dma_wait3A_234] : memref<16x1024xi32, #tpu.memory_space<vmem_shared>> -> memref<1x1024xi32, #tpu.memory_space<vmem_shared>>
      %dma_wait3A_236 = tpu.memref_squeeze %dma_wait3A_235 : memref<1x1024xi32, #tpu.memory_space<vmem_shared>> -> memref<1024xi32, #tpu.memory_space<vmem_shared>>
      %dma_wait3A_237 = arith.constant 0 : i32
      %dma_wait3A_238 = tpu.memref_slice %arg19[%arg1, %dma_wait3A_237] : memref<16x1024xi32, #tpu.memory_space<vmem_shared>> -> memref<1x1024xi32, #tpu.memory_space<vmem_shared>>
      %dma_wait3A_239 = tpu.memref_squeeze %dma_wait3A_238 : memref<1x1024xi32, #tpu.memory_space<vmem_shared>> -> memref<1024xi32, #tpu.memory_space<vmem_shared>>
      %dma_wait3A_240 = arith.constant 0 : i32
      %dma_wait3A_241 = tpu.memref_slice %arg12[%dma_wait3A_240] : memref<4096xi32, #tpu.memory_space<vmem>> -> memref<1024xi32, #tpu.memory_space<vmem>>
      tpu.wait_dma2 semaphore(%run_scoped3A : memref<!tpu.dma_semaphore, #tpu.memory_space<semaphore_mem>>) src(%dma_wait3A_241 : memref<1024xi32, #tpu.memory_space<vmem>>) dst(%dma_wait3A_239 : memref<1024xi32, #tpu.memory_space<vmem_shared>>)
      tpu.yield
    }) : () -> ()
    "tpu.region"() ({
      %run_scoped3A = tpu.sem_alloc : memref<!tpu.dma_semaphore, #tpu.memory_space<semaphore_mem>>
      %dma_start3A_222 = arith.constant 0 : i32
      %dma_start3A_223 = tpu.memref_slice %arg19[%arg1, %dma_start3A_222] : memref<16x1024xi32, #tpu.memory_space<vmem_shared>> -> memref<1x1024xi32, #tpu.memory_space<vmem_shared>>
      %dma_start3A_224 = tpu.memref_squeeze %dma_start3A_223 : memref<1x1024xi32, #tpu.memory_space<vmem_shared>> -> memref<1024xi32, #tpu.memory_space<vmem_shared>>
      tpu.enqueue_dma source(%dma_start3A_224 : memref<1024xi32, #tpu.memory_space<vmem_shared>>) target(%arg21 : memref<1024xi32, #tpu.memory_space<smem>>) target_semaphore(%run_scoped3A : memref<!tpu.dma_semaphore, #tpu.memory_space<semaphore_mem>>)
      %dma_wait3A_225 = arith.constant 0 : i32
      %dma_wait3A_226 = tpu.memref_slice %arg19[%arg1, %dma_wait3A_225] : memref<16x1024xi32, #tpu.memory_space<vmem_shared>> -> memref<1x1024xi32, #tpu.memory_space<vmem_shared>>
      %dma_wait3A_227 = tpu.memref_squeeze %dma_wait3A_226 : memref<1x1024xi32, #tpu.memory_space<vmem_shared>> -> memref<1024xi32, #tpu.memory_space<vmem_shared>>
      tpu.wait_dma2 semaphore(%run_scoped3A : memref<!tpu.dma_semaphore, #tpu.memory_space<semaphore_mem>>) src(%dma_wait3A_227 : memref<1024xi32, #tpu.memory_space<vmem_shared>>) dst(%arg21 : memref<1024xi32, #tpu.memory_space<smem>>)
      tpu.yield
    }) : () -> ()
    %broadcast_in_dim3A_38 = arith.constant 0.000000e+00 : f32
    %broadcast_in_dim3A_39 = vector.broadcast %broadcast_in_dim3A_38 : f32 to vector<16xf32>
    %get3A = arith.constant 249 : i32
    %get3A_40 = arith.index_cast %get3A : i32 to index
    %get3A_41 = memref.load %arg20[%get3A_40] : memref<256xi32, #tpu.memory_space<smem>>
    %min3A = arith.constant 768 : i32
    %min3A_42 = arith.minsi %get3A_41, %min3A : i32
    %scan3A_43 = arith.constant 0 : i32
    %scan3A_44 = arith.constant 0 : i32
    %scan3A_45 = arith.constant 768 : i32
    %scan3A_46 = arith.addi %scan3A_44, %scan3A_45 : i32
    %scan3A_47 = arith.constant 1 : i32
    %scan3A_48 = scf.for %scan3A_222 = %scan3A_44 to %scan3A_46 step %scan3A_47 iter_args(%scan3A_223 = %scan3A_43) -> (i32)  : i32 {
      %lt3A = arith.cmpi slt, %scan3A_222, %min3A_42 : i32
      %convert_element_type3A = arith.extui %lt3A : i1 to i32
      %cond3A = arith.constant 0 : i32
      %cond3A_224 = arith.cmpi ne, %convert_element_type3A, %cond3A : i32
      scf.if %cond3A_224 {
        %jit3A_226 = arith.constant 0 : i32
        %jit3A_227 = arith.constant 1023 : i32
        %max3A = arith.maxsi %jit3A_226, %scan3A_222 : i32
        %min3A_228 = arith.minsi %jit3A_227, %max3A : i32
        %get3A_229 = arith.index_cast %min3A_228 : i32 to index
        %get3A_230 = memref.load %arg21[%get3A_229] : memref<1024xi32, #tpu.memory_space<smem>>
        %jit3A_231 = arith.constant 0 : i32
        %jit3A_232 = arith.constant 16383 : i32
        %max3A_233 = arith.maxsi %jit3A_231, %get3A_230 : i32
        %min3A_234 = arith.minsi %jit3A_232, %max3A_233 : i32
        %shift_right_arithmetic3A = arith.constant 1 : i32
        %shift_right_arithmetic3A_235 = arith.shrsi %scan3A_222, %shift_right_arithmetic3A : i32
        %and3A_236 = arith.constant 1 : i32
        %and3A_237 = arith.andi %scan3A_222, %and3A_236 : i32
        %mul3A_238 = arith.constant 64 : i32
        %mul3A_239 = arith.muli %and3A_237, %mul3A_238 : i32
        %dma_start3A_240 = tpu.memref_slice %arg15[%shift_right_arithmetic3A_235, %mul3A_239] : memref<384x128xf32, #tpu.memory_space<vmem>> -> memref<1x64xf32, #tpu.memory_space<vmem>>
        %dma_start3A_241 = tpu.memref_squeeze %dma_start3A_240 : memref<1x64xf32, #tpu.memory_space<vmem>> -> memref<64xf32, #tpu.memory_space<vmem>>
        %dma_start3A_242 = arith.constant 0 : i32
        %dma_start3A_243 = tpu.memref_slice %arg2[%min3A_234, %dma_start3A_242] : memref<16384x64xf32, #tpu.memory_space<hbm>> -> memref<1x64xf32, #tpu.memory_space<hbm>>
        %dma_start3A_244 = tpu.memref_squeeze %dma_start3A_243 : memref<1x64xf32, #tpu.memory_space<hbm>> -> memref<64xf32, #tpu.memory_space<hbm>>
        %dma_start3A_245 = tpu.memref_slice %arg15[%shift_right_arithmetic3A_235, %mul3A_239] : memref<384x128xf32, #tpu.memory_space<vmem>> -> memref<1x64xf32, #tpu.memory_space<vmem>>
        %dma_start3A_246 = tpu.memref_squeeze %dma_start3A_245 : memref<1x64xf32, #tpu.memory_space<vmem>> -> memref<64xf32, #tpu.memory_space<vmem>>
        %dma_start3A_247 = arith.constant 0 : i32
        %dma_start3A_248 = tpu.memref_slice %arg2[%min3A_234, %dma_start3A_247] : memref<16384x64xf32, #tpu.memory_space<hbm>> -> memref<1x64xf32, #tpu.memory_space<hbm>>
        %dma_start3A_249 = tpu.memref_squeeze %dma_start3A_248 : memref<1x64xf32, #tpu.memory_space<hbm>> -> memref<64xf32, #tpu.memory_space<hbm>>
        tpu.enqueue_dma source(%dma_start3A_249 : memref<64xf32, #tpu.memory_space<hbm>>) target(%dma_start3A_246 : memref<64xf32, #tpu.memory_space<vmem>>) target_semaphore(%arg24 : memref<!tpu.dma_semaphore, #tpu.memory_space<semaphore_mem>>)
      } else {
      }
      %scan3A_225 = arith.constant 0 : i32
      scf.yield %scan3A_225 : i32
    }
    %scan3A_49 = arith.constant 768 : i32
    %scan3A_50 = arith.constant 0 : i32
    %scan3A_51 = arith.constant 0 : i32
    %scan3A_52 = arith.constant 768 : i32
    %scan3A_53 = arith.addi %scan3A_51, %scan3A_52 : i32
    %scan3A_54 = arith.constant 1 : i32
    %scan3A_55 = scf.for %scan3A_222 = %scan3A_51 to %scan3A_53 step %scan3A_54 iter_args(%scan3A_223 = %scan3A_50) -> (i32)  : i32 {
      %lt3A = arith.cmpi slt, %scan3A_222, %min3A_42 : i32
      %convert_element_type3A = arith.extui %lt3A : i1 to i32
      %cond3A = arith.constant 0 : i32
      %cond3A_224 = arith.cmpi ne, %convert_element_type3A, %cond3A : i32
      scf.if %cond3A_224 {
        %shift_right_arithmetic3A = arith.constant 1 : i32
        %shift_right_arithmetic3A_226 = arith.shrsi %scan3A_222, %shift_right_arithmetic3A : i32
        %and3A_227 = arith.constant 1 : i32
        %and3A_228 = arith.andi %scan3A_222, %and3A_227 : i32
        %mul3A_229 = arith.constant 64 : i32
        %mul3A_230 = arith.muli %and3A_228, %mul3A_229 : i32
        %dma_wait3A_231 = arith.constant 0 : i32
        %dma_wait3A_232 = tpu.memref_slice %arg15[%shift_right_arithmetic3A_226, %mul3A_230] : memref<384x128xf32, #tpu.memory_space<vmem>> -> memref<1x64xf32, #tpu.memory_space<vmem>>
        %dma_wait3A_233 = tpu.memref_squeeze %dma_wait3A_232 : memref<1x64xf32, #tpu.memory_space<vmem>> -> memref<64xf32, #tpu.memory_space<vmem>>
        %dma_wait3A_234 = arith.constant 0 : i32
        %dma_wait3A_235 = tpu.memref_slice %arg2[%dma_wait3A_231, %dma_wait3A_234] : memref<16384x64xf32, #tpu.memory_space<hbm>> -> memref<1x64xf32, #tpu.memory_space<hbm>>
        %dma_wait3A_236 = tpu.memref_squeeze %dma_wait3A_235 : memref<1x64xf32, #tpu.memory_space<hbm>> -> memref<64xf32, #tpu.memory_space<hbm>>
        %dma_wait3A_237 = tpu.memref_slice %arg15[%shift_right_arithmetic3A_226, %mul3A_230] : memref<384x128xf32, #tpu.memory_space<vmem>> -> memref<1x64xf32, #tpu.memory_space<vmem>>
        %dma_wait3A_238 = tpu.memref_squeeze %dma_wait3A_237 : memref<1x64xf32, #tpu.memory_space<vmem>> -> memref<64xf32, #tpu.memory_space<vmem>>
        %dma_wait3A_239 = arith.constant 0 : i32
        %dma_wait3A_240 = tpu.memref_slice %arg2[%dma_wait3A_231, %dma_wait3A_239] : memref<16384x64xf32, #tpu.memory_space<hbm>> -> memref<1x64xf32, #tpu.memory_space<hbm>>
        %dma_wait3A_241 = tpu.memref_squeeze %dma_wait3A_240 : memref<1x64xf32, #tpu.memory_space<hbm>> -> memref<64xf32, #tpu.memory_space<hbm>>
        tpu.wait_dma2 semaphore(%arg24 : memref<!tpu.dma_semaphore, #tpu.memory_space<semaphore_mem>>) src(%dma_wait3A_241 : memref<64xf32, #tpu.memory_space<hbm>>) dst(%dma_wait3A_238 : memref<64xf32, #tpu.memory_space<vmem>>)
      } else {
      }
      %scan3A_225 = arith.constant 0 : i32
      scf.yield %scan3A_225 : i32
    }
    %scan3A_56 = arith.constant 768 : i32
    %add3A_57 = arith.constant 0 : i32
    %add3A_58 = arith.addi %mul3A_5, %add3A_57 : i32
    %dma_start3A = arith.constant 0 : i32
    %dma_start3A_59 = tpu.memref_slice %arg4[%dma_start3A, %add3A_58] : memref<64x1000000xf32, #tpu.memory_space<hbm>> -> memref<64x256xf32, #tpu.memory_space<hbm>>
    %dma_start3A_60 = arith.constant 0 : i32
    %dma_start3A_61 = tpu.memref_slice %arg4[%dma_start3A_60, %add3A_58] : memref<64x1000000xf32, #tpu.memory_space<hbm>> -> memref<64x256xf32, #tpu.memory_space<hbm>>
    tpu.enqueue_dma source(%dma_start3A_61 : memref<64x256xf32, #tpu.memory_space<hbm>>) target(%arg13 : memref<64x256xf32, #tpu.memory_space<vmem>>) target_semaphore(%arg22 : memref<!tpu.dma_semaphore, #tpu.memory_space<semaphore_mem>>)
    %scan3A_62 = arith.constant 0 : i32
    %scan3A_63 = arith.constant 61 : i32
    %scan3A_64 = arith.addi %scan3A_62, %scan3A_63 : i32
    %scan3A_65 = arith.constant 1 : i32
    %scan3A_66 = scf.for %scan3A_222 = %scan3A_62 to %scan3A_64 step %scan3A_65 iter_args(%scan3A_223 = %broadcast_in_dim3A_39) -> (vector<16xf32>)  : i32 {
      %mul3A_224 = arith.constant 2 : i32
      %mul3A_225 = arith.muli %mul3A_224, %scan3A_222 : i32
      %add3A_226 = arith.constant 1 : i32
      %add3A_227 = arith.addi %mul3A_225, %add3A_226 : i32
      %mul3A_228 = arith.constant 256 : i32
      %mul3A_229 = arith.muli %add3A_227, %mul3A_228 : i32
      %add3A_230 = arith.addi %mul3A_5, %mul3A_229 : i32
      %dma_start3A_231 = arith.constant 0 : i32
      %dma_start3A_232 = tpu.memref_slice %arg4[%dma_start3A_231, %add3A_230] : memref<64x1000000xf32, #tpu.memory_space<hbm>> -> memref<64x256xf32, #tpu.memory_space<hbm>>
      %dma_start3A_233 = arith.constant 0 : i32
      %dma_start3A_234 = tpu.memref_slice %arg4[%dma_start3A_233, %add3A_230] : memref<64x1000000xf32, #tpu.memory_space<hbm>> -> memref<64x256xf32, #tpu.memory_space<hbm>>
      tpu.enqueue_dma source(%dma_start3A_234 : memref<64x256xf32, #tpu.memory_space<hbm>>) target(%arg14 : memref<64x256xf32, #tpu.memory_space<vmem>>) target_semaphore(%arg23 : memref<!tpu.dma_semaphore, #tpu.memory_space<semaphore_mem>>)
      %mul3A_235 = arith.constant 256 : i32
      %mul3A_236 = arith.muli %mul3A_225, %mul3A_235 : i32
      %add3A_237 = arith.addi %mul3A_5, %mul3A_236 : i32
      %dma_wait3A_238 = arith.constant 0 : i32
      %dma_wait3A_239 = tpu.memref_slice %arg4[%dma_wait3A_238, %add3A_237] : memref<64x1000000xf32, #tpu.memory_space<hbm>> -> memref<64x256xf32, #tpu.memory_space<hbm>>
      %dma_wait3A_240 = arith.constant 0 : i32
      %dma_wait3A_241 = tpu.memref_slice %arg4[%dma_wait3A_240, %add3A_237] : memref<64x1000000xf32, #tpu.memory_space<hbm>> -> memref<64x256xf32, #tpu.memory_space<hbm>>
      tpu.wait_dma2 semaphore(%arg22 : memref<!tpu.dma_semaphore, #tpu.memory_space<semaphore_mem>>) src(%dma_wait3A_241 : memref<64x256xf32, #tpu.memory_space<hbm>>) dst(%arg13 : memref<64x256xf32, #tpu.memory_space<vmem>>)
      %mul3A_242 = arith.constant 2 : i32
      %mul3A_243 = arith.muli %mul3A_225, %mul3A_242 : i32
      %get3A_244 = arith.index_cast %mul3A_243 : i32 to index
      %get3A_245 = memref.load %arg20[%get3A_244] : memref<256xi32, #tpu.memory_space<smem>>
      %add3A_246 = arith.constant 1 : i32
      %add3A_247 = arith.addi %mul3A_225, %add3A_246 : i32
      %mul3A_248 = arith.constant 2 : i32
      %mul3A_249 = arith.muli %add3A_247, %mul3A_248 : i32
      %get3A_250 = arith.index_cast %mul3A_249 : i32 to index
      %get3A_251 = memref.load %arg20[%get3A_250] : memref<256xi32, #tpu.memory_space<smem>>
      %mul3A_252 = arith.constant 256 : i32
      %mul3A_253 = arith.muli %mul3A_225, %mul3A_252 : i32
      %add3A_254 = arith.addi %mul3A_5, %mul3A_253 : i32
      %sub3A_255 = arith.subi %get3A_251, %get3A_245 : i32
      %add3A_256 = arith.constant 16 : i32
      %add3A_257 = arith.addi %sub3A_255, %add3A_256 : i32
      %sub3A_258 = arith.constant 1 : i32
      %sub3A_259 = arith.subi %add3A_257, %sub3A_258 : i32
      %jit3A_260 = arith.constant 16 : i32
      %div3A_261 = arith.divsi %sub3A_259, %jit3A_260 : i32
      %sign3A_262 = arith.constant 0 : i32
      %sign3A_263 = arith.cmpi sgt, %sub3A_259, %sign3A_262 : i32
      %sign3A_264 = arith.extui %sign3A_263 : i1 to i32
      %sign3A_265 = arith.constant 0 : i32
      %sign3A_266 = arith.cmpi slt, %sub3A_259, %sign3A_265 : i32
      %sign3A_267 = arith.extui %sign3A_266 : i1 to i32
      %sign3A_268 = arith.subi %sign3A_264, %sign3A_267 : i32
      %sign3A_269 = arith.constant 0 : i32
      %sign3A_270 = arith.cmpi sgt, %jit3A_260, %sign3A_269 : i32
      %sign3A_271 = arith.extui %sign3A_270 : i1 to i32
      %sign3A_272 = arith.constant 0 : i32
      %sign3A_273 = arith.cmpi slt, %jit3A_260, %sign3A_272 : i32
      %sign3A_274 = arith.extui %sign3A_273 : i1 to i32
      %sign3A_275 = arith.subi %sign3A_271, %sign3A_274 : i32
      %ne3A_276 = arith.cmpi ne, %sign3A_268, %sign3A_275 : i32
      %rem3A_277 = arith.remsi %sub3A_259, %jit3A_260 : i32
      %ne3A_278 = arith.constant 0 : i32
      %ne3A_279 = arith.cmpi ne, %rem3A_277, %ne3A_278 : i32
      %and3A_280 = arith.andi %ne3A_276, %ne3A_279 : i1
      %sub3A_281 = arith.constant 1 : i32
      %sub3A_282 = arith.subi %div3A_261, %sub3A_281 : i32
      %select_n3A_283 = arith.select %and3A_280, %sub3A_282, %div3A_261 : i32
      %while3A_284 = arith.constant 0 : i32
      %while3A_285 = arith.subi %select_n3A_283, %while3A_284 : i32
      %while3A_286 = arith.addi %while3A_284, %while3A_285 : i32
      %while3A_287 = arith.constant 1 : i32
      %while3A_288 = arith.divsi %while3A_285, %while3A_287 : i32
      %while3A_289 = arith.muli %while3A_288, %while3A_287 : i32
      %while3A_290 = arith.addi %while3A_284, %while3A_289 : i32
      %while3A_291 = arith.constant 1 : i32
      %while3A_292 = scf.for %while3A_368 = %while3A_284 to %while3A_290 step %while3A_291 iter_args(%while3A_369 = %scan3A_223) -> (vector<16xf32>)  : i32 {
        %mul3A_370 = arith.constant 16 : i32
        %mul3A_371 = arith.muli %while3A_368, %mul3A_370 : i32
        %add3A_372 = arith.addi %get3A_245, %mul3A_371 : i32
        %sub3A_373 = arith.subi %get3A_251, %add3A_372 : i32
        %lt3A = vector.broadcast %sub3A_373 : i32 to vector<16xi32>
        %lt3A_374 = arith.cmpi slt, %iota3A, %lt3A : vector<16xi32>
        %add3A_375 = vector.broadcast %add3A_372 : i32 to vector<16xi32>
        %add3A_376 = arith.addi %iota3A, %add3A_375 : vector<16xi32>
        %jit3A_377 = arith.constant 0 : i32
        %jit3A_378 = arith.constant 767 : i32
        %max3A = vector.broadcast %jit3A_377 : i32 to vector<16xi32>
        %max3A_379 = arith.maxsi %max3A, %add3A_376 : vector<16xi32>
        %min3A_380 = vector.broadcast %jit3A_378 : i32 to vector<16xi32>
        %min3A_381 = arith.minsi %min3A_380, %max3A_379 : vector<16xi32>
        %add3A_382 = vector.broadcast %add3A_372 : i32 to vector<16xi32>
        %add3A_383 = arith.addi %iota3A, %add3A_382 : vector<16xi32>
        %jit3A_384 = arith.constant 0 : i32
        %jit3A_385 = arith.constant 4095 : i32
        %max3A_386 = vector.broadcast %jit3A_384 : i32 to vector<16xi32>
        %max3A_387 = arith.maxsi %max3A_386, %add3A_383 : vector<16xi32>
        %min3A_388 = vector.broadcast %jit3A_385 : i32 to vector<16xi32>
        %min3A_389 = arith.minsi %min3A_388, %max3A_387 : vector<16xi32>
        %gather3A = tpu.vector_load_idx %arg11[%min3A_389] : memref<4096xi32, #tpu.memory_space<vmem>>[vector<16xi32>], vector<16xi32>,
        %sub3A_390 = vector.broadcast %add3A_254 : i32 to vector<16xi32>
        %sub3A_391 = arith.subi %gather3A, %sub3A_390 : vector<16xi32>
        %jit3A_392 = arith.constant 0 : i32
        %broadcast_in_dim3A_393 = vector.broadcast %jit3A_392 : i32 to vector<16xi32>
        %select_n3A_394 = arith.select %lt3A_374, %sub3A_391, %broadcast_in_dim3A_393 : vector<16xi1>, vector<16xi32>
        %jit3A_395 = arith.constant 0 : i32
        %jit3A_396 = arith.constant 255 : i32
        %max3A_397 = vector.broadcast %jit3A_395 : i32 to vector<16xi32>
        %max3A_398 = arith.maxsi %max3A_397, %select_n3A_394 : vector<16xi32>
        %min3A_399 = vector.broadcast %jit3A_396 : i32 to vector<16xi32>
        %min3A_400 = arith.minsi %min3A_399, %max3A_398 : vector<16xi32>
        %shift_right_arithmetic3A = arith.constant 1 : i32
        %shift_right_arithmetic3A_401 = vector.broadcast %shift_right_arithmetic3A : i32 to vector<16xi32>
        %shift_right_arithmetic3A_402 = arith.shrsi %min3A_381, %shift_right_arithmetic3A_401 : vector<16xi32>
        %and3A_403 = arith.constant 1 : i32
        %and3A_404 = vector.broadcast %and3A_403 : i32 to vector<16xi32>
        %and3A_405 = arith.andi %min3A_381, %and3A_404 : vector<16xi32>
        %mul3A_406 = arith.constant 64 : i32
        %mul3A_407 = vector.broadcast %mul3A_406 : i32 to vector<16xi32>
        %mul3A_408 = arith.muli %and3A_405, %mul3A_407 : vector<16xi32>
        %broadcast_in_dim3A_409 = arith.constant 0.000000e+00 : f32
        %broadcast_in_dim3A_410 = vector.broadcast %broadcast_in_dim3A_409 : f32 to vector<16xf32>
        %scan3A_411 = arith.constant 0 : i32
        %scan3A_412 = arith.constant 32 : i32
        %scan3A_413 = arith.addi %scan3A_411, %scan3A_412 : i32
        %scan3A_414 = arith.constant 1 : i32
        %scan3A_415 = scf.for %scan3A_427 = %scan3A_411 to %scan3A_413 step %scan3A_414 iter_args(%scan3A_428 = %broadcast_in_dim3A_410) -> (vector<16xf32>)  : i32 {
          %mul3A_429 = arith.constant 2 : i32
          %mul3A_430 = arith.muli %mul3A_429, %scan3A_427 : i32
          %broadcast_in_dim3A_431 = vector.broadcast %mul3A_430 : i32 to vector<16xi32>
          %add3A_432 = arith.constant 1 : i32
          %add3A_433 = vector.broadcast %add3A_432 : i32 to vector<16xi32>
          %add3A_434 = arith.addi %broadcast_in_dim3A_431, %add3A_433 : vector<16xi32>
          %gather3A_435 = tpu.vector_load_idx %arg13[%broadcast_in_dim3A_431, %min3A_400] : memref<64x256xf32, #tpu.memory_space<vmem>>[vector<16xi32>, vector<16xi32>], vector<16xf32>,
          %add3A_436 = arith.addi %mul3A_408, %broadcast_in_dim3A_431 : vector<16xi32>
          %gather3A_437 = tpu.vector_load_idx %arg15[%shift_right_arithmetic3A_402, %add3A_436] : memref<384x128xf32, #tpu.memory_space<vmem>>[vector<16xi32>, vector<16xi32>], vector<16xf32>,
          %sub3A_438 = arith.subf %gather3A_437, %gather3A_435 : vector<16xf32>
          %gather3A_439 = tpu.vector_load_idx %arg13[%add3A_434, %min3A_400] : memref<64x256xf32, #tpu.memory_space<vmem>>[vector<16xi32>, vector<16xi32>], vector<16xf32>,
          %add3A_440 = arith.addi %mul3A_408, %add3A_434 : vector<16xi32>
          %gather3A_441 = tpu.vector_load_idx %arg15[%shift_right_arithmetic3A_402, %add3A_440] : memref<384x128xf32, #tpu.memory_space<vmem>>[vector<16xi32>, vector<16xi32>], vector<16xf32>,
          %sub3A_442 = arith.subf %gather3A_441, %gather3A_439 : vector<16xf32>
          %mul3A_443 = arith.mulf %sub3A_438, %sub3A_438 : vector<16xf32>
          %add3A_444 = arith.addf %scan3A_428, %mul3A_443 : vector<16xf32>
          %mul3A_445 = arith.mulf %sub3A_442, %sub3A_442 : vector<16xf32>
          %add3A_446 = arith.addf %add3A_444, %mul3A_445 : vector<16xf32>
          scf.yield %add3A_446 : vector<16xf32>
        }
        %scan3A_416 = arith.constant 32 : i32
        %jit3A_417 = arith.constant 9.99999996E-13 : f32
        %jit3A_418 = arith.constant 9.99999995E+11 : f32
        %max3A_419 = vector.broadcast %jit3A_417 : f32 to vector<16xf32>
        %max3A_420 = arith.maximumf %max3A_419, %scan3A_415 : vector<16xf32>
        %min3A_421 = vector.broadcast %jit3A_418 : f32 to vector<16xf32>
        %min3A_422 = arith.minimumf %min3A_421, %max3A_420 : vector<16xf32>
        %jit3A_423 = arith.constant 0.000000e+00 : f32
        %broadcast_in_dim3A_424 = vector.broadcast %jit3A_423 : f32 to vector<16xf32>
        %select_n3A_425 = arith.select %lt3A_374, %min3A_422, %broadcast_in_dim3A_424 : vector<16xi1>, vector<16xf32>
        %add3A_426 = arith.addf %while3A_369, %select_n3A_425 : vector<16xf32>
        scf.yield %add3A_426 : vector<16xf32>
      }
      %while3A_293 = arith.constant 1 : i32
      %while3A_294 = scf.for %while3A_368 = %while3A_290 to %while3A_286 step %while3A_293 iter_args(%while3A_369 = %while3A_292) -> (vector<16xf32>)  : i32 {
        %mul3A_370 = arith.constant 16 : i32
        %mul3A_371 = arith.muli %while3A_368, %mul3A_370 : i32
        %add3A_372 = arith.addi %get3A_245, %mul3A_371 : i32
        %sub3A_373 = arith.subi %get3A_251, %add3A_372 : i32
        %lt3A = vector.broadcast %sub3A_373 : i32 to vector<16xi32>
        %lt3A_374 = arith.cmpi slt, %iota3A, %lt3A : vector<16xi32>
        %add3A_375 = vector.broadcast %add3A_372 : i32 to vector<16xi32>
        %add3A_376 = arith.addi %iota3A, %add3A_375 : vector<16xi32>
        %jit3A_377 = arith.constant 0 : i32
        %jit3A_378 = arith.constant 767 : i32
        %max3A = vector.broadcast %jit3A_377 : i32 to vector<16xi32>
        %max3A_379 = arith.maxsi %max3A, %add3A_376 : vector<16xi32>
        %min3A_380 = vector.broadcast %jit3A_378 : i32 to vector<16xi32>
        %min3A_381 = arith.minsi %min3A_380, %max3A_379 : vector<16xi32>
        %add3A_382 = vector.broadcast %add3A_372 : i32 to vector<16xi32>
        %add3A_383 = arith.addi %iota3A, %add3A_382 : vector<16xi32>
        %jit3A_384 = arith.constant 0 : i32
        %jit3A_385 = arith.constant 4095 : i32
        %max3A_386 = vector.broadcast %jit3A_384 : i32 to vector<16xi32>
        %max3A_387 = arith.maxsi %max3A_386, %add3A_383 : vector<16xi32>
        %min3A_388 = vector.broadcast %jit3A_385 : i32 to vector<16xi32>
        %min3A_389 = arith.minsi %min3A_388, %max3A_387 : vector<16xi32>
        %gather3A = tpu.vector_load_idx %arg11[%min3A_389] : memref<4096xi32, #tpu.memory_space<vmem>>[vector<16xi32>], vector<16xi32>,
        %sub3A_390 = vector.broadcast %add3A_254 : i32 to vector<16xi32>
        %sub3A_391 = arith.subi %gather3A, %sub3A_390 : vector<16xi32>
        %jit3A_392 = arith.constant 0 : i32
        %broadcast_in_dim3A_393 = vector.broadcast %jit3A_392 : i32 to vector<16xi32>
        %select_n3A_394 = arith.select %lt3A_374, %sub3A_391, %broadcast_in_dim3A_393 : vector<16xi1>, vector<16xi32>
        %jit3A_395 = arith.constant 0 : i32
        %jit3A_396 = arith.constant 255 : i32
        %max3A_397 = vector.broadcast %jit3A_395 : i32 to vector<16xi32>
        %max3A_398 = arith.maxsi %max3A_397, %select_n3A_394 : vector<16xi32>
        %min3A_399 = vector.broadcast %jit3A_396 : i32 to vector<16xi32>
        %min3A_400 = arith.minsi %min3A_399, %max3A_398 : vector<16xi32>
        %shift_right_arithmetic3A = arith.constant 1 : i32
        %shift_right_arithmetic3A_401 = vector.broadcast %shift_right_arithmetic3A : i32 to vector<16xi32>
        %shift_right_arithmetic3A_402 = arith.shrsi %min3A_381, %shift_right_arithmetic3A_401 : vector<16xi32>
        %and3A_403 = arith.constant 1 : i32
        %and3A_404 = vector.broadcast %and3A_403 : i32 to vector<16xi32>
        %and3A_405 = arith.andi %min3A_381, %and3A_404 : vector<16xi32>
        %mul3A_406 = arith.constant 64 : i32
        %mul3A_407 = vector.broadcast %mul3A_406 : i32 to vector<16xi32>
        %mul3A_408 = arith.muli %and3A_405, %mul3A_407 : vector<16xi32>
        %broadcast_in_dim3A_409 = arith.constant 0.000000e+00 : f32
        %broadcast_in_dim3A_410 = vector.broadcast %broadcast_in_dim3A_409 : f32 to vector<16xf32>
        %scan3A_411 = arith.constant 0 : i32
        %scan3A_412 = arith.constant 32 : i32
        %scan3A_413 = arith.addi %scan3A_411, %scan3A_412 : i32
        %scan3A_414 = arith.constant 1 : i32
        %scan3A_415 = scf.for %scan3A_427 = %scan3A_411 to %scan3A_413 step %scan3A_414 iter_args(%scan3A_428 = %broadcast_in_dim3A_410) -> (vector<16xf32>)  : i32 {
          %mul3A_429 = arith.constant 2 : i32
          %mul3A_430 = arith.muli %mul3A_429, %scan3A_427 : i32
          %broadcast_in_dim3A_431 = vector.broadcast %mul3A_430 : i32 to vector<16xi32>
          %add3A_432 = arith.constant 1 : i32
          %add3A_433 = vector.broadcast %add3A_432 : i32 to vector<16xi32>
          %add3A_434 = arith.addi %broadcast_in_dim3A_431, %add3A_433 : vector<16xi32>
          %gather3A_435 = tpu.vector_load_idx %arg13[%broadcast_in_dim3A_431, %min3A_400] : memref<64x256xf32, #tpu.memory_space<vmem>>[vector<16xi32>, vector<16xi32>], vector<16xf32>,
          %add3A_436 = arith.addi %mul3A_408, %broadcast_in_dim3A_431 : vector<16xi32>
          %gather3A_437 = tpu.vector_load_idx %arg15[%shift_right_arithmetic3A_402, %add3A_436] : memref<384x128xf32, #tpu.memory_space<vmem>>[vector<16xi32>, vector<16xi32>], vector<16xf32>,
          %sub3A_438 = arith.subf %gather3A_437, %gather3A_435 : vector<16xf32>
          %gather3A_439 = tpu.vector_load_idx %arg13[%add3A_434, %min3A_400] : memref<64x256xf32, #tpu.memory_space<vmem>>[vector<16xi32>, vector<16xi32>], vector<16xf32>,
          %add3A_440 = arith.addi %mul3A_408, %add3A_434 : vector<16xi32>
          %gather3A_441 = tpu.vector_load_idx %arg15[%shift_right_arithmetic3A_402, %add3A_440] : memref<384x128xf32, #tpu.memory_space<vmem>>[vector<16xi32>, vector<16xi32>], vector<16xf32>,
          %sub3A_442 = arith.subf %gather3A_441, %gather3A_439 : vector<16xf32>
          %mul3A_443 = arith.mulf %sub3A_438, %sub3A_438 : vector<16xf32>
          %add3A_444 = arith.addf %scan3A_428, %mul3A_443 : vector<16xf32>
          %mul3A_445 = arith.mulf %sub3A_442, %sub3A_442 : vector<16xf32>
          %add3A_446 = arith.addf %add3A_444, %mul3A_445 : vector<16xf32>
          scf.yield %add3A_446 : vector<16xf32>
        }
        %scan3A_416 = arith.constant 32 : i32
        %jit3A_417 = arith.constant 9.99999996E-13 : f32
        %jit3A_418 = arith.constant 9.99999995E+11 : f32
        %max3A_419 = vector.broadcast %jit3A_417 : f32 to vector<16xf32>
        %max3A_420 = arith.maximumf %max3A_419, %scan3A_415 : vector<16xf32>
        %min3A_421 = vector.broadcast %jit3A_418 : f32 to vector<16xf32>
        %min3A_422 = arith.minimumf %min3A_421, %max3A_420 : vector<16xf32>
        %jit3A_423 = arith.constant 0.000000e+00 : f32
        %broadcast_in_dim3A_424 = vector.broadcast %jit3A_423 : f32 to vector<16xf32>
        %select_n3A_425 = arith.select %lt3A_374, %min3A_422, %broadcast_in_dim3A_424 : vector<16xi1>, vector<16xf32>
        %add3A_426 = arith.addf %while3A_369, %select_n3A_425 : vector<16xf32>
        scf.yield %add3A_426 : vector<16xf32>
      }
      %add3A_295 = arith.constant 2 : i32
      %add3A_296 = arith.addi %mul3A_225, %add3A_295 : i32
      %mul3A_297 = arith.constant 256 : i32
      %mul3A_298 = arith.muli %add3A_296, %mul3A_297 : i32
      %add3A_299 = arith.addi %mul3A_5, %mul3A_298 : i32
      %dma_start3A_300 = arith.constant 0 : i32
      %dma_start3A_301 = tpu.memref_slice %arg4[%dma_start3A_300, %add3A_299] : memref<64x1000000xf32, #tpu.memory_space<hbm>> -> memref<64x256xf32, #tpu.memory_space<hbm>>
      %dma_start3A_302 = arith.constant 0 : i32
      %dma_start3A_303 = tpu.memref_slice %arg4[%dma_start3A_302, %add3A_299] : memref<64x1000000xf32, #tpu.memory_space<hbm>> -> memref<64x256xf32, #tpu.memory_space<hbm>>
      tpu.enqueue_dma source(%dma_start3A_303 : memref<64x256xf32, #tpu.memory_space<hbm>>) target(%arg13 : memref<64x256xf32, #tpu.memory_space<vmem>>) target_semaphore(%arg22 : memref<!tpu.dma_semaphore, #tpu.memory_space<semaphore_mem>>)
      %add3A_304 = arith.constant 1 : i32
      %add3A_305 = arith.addi %mul3A_225, %add3A_304 : i32
      %mul3A_306 = arith.constant 256 : i32
      %mul3A_307 = arith.muli %add3A_305, %mul3A_306 : i32
      %add3A_308 = arith.addi %mul3A_5, %mul3A_307 : i32
      %dma_wait3A_309 = arith.constant 0 : i32
      %dma_wait3A_310 = tpu.memref_slice %arg4[%dma_wait3A_309, %add3A_308] : memref<64x1000000xf32, #tpu.memory_space<hbm>> -> memref<64x256xf32, #tpu.memory_space<hbm>>
      %dma_wait3A_311 = arith.constant 0 : i32
      %dma_wait3A_312 = tpu.memref_slice %arg4[%dma_wait3A_311, %add3A_308] : memref<64x1000000xf32, #tpu.memory_space<hbm>> -> memref<64x256xf32, #tpu.memory_space<hbm>>
      tpu.wait_dma2 semaphore(%arg23 : memref<!tpu.dma_semaphore, #tpu.memory_space<semaphore_mem>>) src(%dma_wait3A_312 : memref<64x256xf32, #tpu.memory_space<hbm>>) dst(%arg14 : memref<64x256xf32, #tpu.memory_space<vmem>>)
      %add3A_313 = arith.constant 1 : i32
      %add3A_314 = arith.addi %mul3A_225, %add3A_313 : i32
      %mul3A_315 = arith.constant 2 : i32
      %mul3A_316 = arith.muli %add3A_314, %mul3A_315 : i32
      %get3A_317 = arith.index_cast %mul3A_316 : i32 to index
      %get3A_318 = memref.load %arg20[%get3A_317] : memref<256xi32, #tpu.memory_space<smem>>
      %add3A_319 = arith.constant 1 : i32
      %add3A_320 = arith.addi %add3A_314, %add3A_319 : i32
      %mul3A_321 = arith.constant 2 : i32
      %mul3A_322 = arith.muli %add3A_320, %mul3A_321 : i32
      %get3A_323 = arith.index_cast %mul3A_322 : i32 to index
      %get3A_324 = memref.load %arg20[%get3A_323] : memref<256xi32, #tpu.memory_space<smem>>
      %mul3A_325 = arith.constant 256 : i32
      %mul3A_326 = arith.muli %add3A_314, %mul3A_325 : i32
      %add3A_327 = arith.addi %mul3A_5, %mul3A_326 : i32
      %sub3A_328 = arith.subi %get3A_324, %get3A_318 : i32
      %add3A_329 = arith.constant 16 : i32
      %add3A_330 = arith.addi %sub3A_328, %add3A_329 : i32
      %sub3A_331 = arith.constant 1 : i32
      %sub3A_332 = arith.subi %add3A_330, %sub3A_331 : i32
      %jit3A_333 = arith.constant 16 : i32
      %div3A_334 = arith.divsi %sub3A_332, %jit3A_333 : i32
      %sign3A_335 = arith.constant 0 : i32
      %sign3A_336 = arith.cmpi sgt, %sub3A_332, %sign3A_335 : i32
      %sign3A_337 = arith.extui %sign3A_336 : i1 to i32
      %sign3A_338 = arith.constant 0 : i32
      %sign3A_339 = arith.cmpi slt, %sub3A_332, %sign3A_338 : i32
      %sign3A_340 = arith.extui %sign3A_339 : i1 to i32
      %sign3A_341 = arith.subi %sign3A_337, %sign3A_340 : i32
      %sign3A_342 = arith.constant 0 : i32
      %sign3A_343 = arith.cmpi sgt, %jit3A_333, %sign3A_342 : i32
      %sign3A_344 = arith.extui %sign3A_343 : i1 to i32
      %sign3A_345 = arith.constant 0 : i32
      %sign3A_346 = arith.cmpi slt, %jit3A_333, %sign3A_345 : i32
      %sign3A_347 = arith.extui %sign3A_346 : i1 to i32
      %sign3A_348 = arith.subi %sign3A_344, %sign3A_347 : i32
      %ne3A_349 = arith.cmpi ne, %sign3A_341, %sign3A_348 : i32
      %rem3A_350 = arith.remsi %sub3A_332, %jit3A_333 : i32
      %ne3A_351 = arith.constant 0 : i32
      %ne3A_352 = arith.cmpi ne, %rem3A_350, %ne3A_351 : i32
      %and3A_353 = arith.andi %ne3A_349, %ne3A_352 : i1
      %sub3A_354 = arith.constant 1 : i32
      %sub3A_355 = arith.subi %div3A_334, %sub3A_354 : i32
      %select_n3A_356 = arith.select %and3A_353, %sub3A_355, %div3A_334 : i32
      %while3A_357 = arith.constant 0 : i32
      %while3A_358 = arith.subi %select_n3A_356, %while3A_357 : i32
      %while3A_359 = arith.addi %while3A_357, %while3A_358 : i32
      %while3A_360 = arith.constant 1 : i32
      %while3A_361 = arith.divsi %while3A_358, %while3A_360 : i32
      %while3A_362 = arith.muli %while3A_361, %while3A_360 : i32
      %while3A_363 = arith.addi %while3A_357, %while3A_362 : i32
      %while3A_364 = arith.constant 1 : i32
      %while3A_365 = scf.for %while3A_368 = %while3A_357 to %while3A_363 step %while3A_364 iter_args(%while3A_369 = %while3A_294) -> (vector<16xf32>)  : i32 {
        %mul3A_370 = arith.constant 16 : i32
        %mul3A_371 = arith.muli %while3A_368, %mul3A_370 : i32
        %add3A_372 = arith.addi %get3A_318, %mul3A_371 : i32
        %sub3A_373 = arith.subi %get3A_324, %add3A_372 : i32
        %lt3A = vector.broadcast %sub3A_373 : i32 to vector<16xi32>
        %lt3A_374 = arith.cmpi slt, %iota3A, %lt3A : vector<16xi32>
        %add3A_375 = vector.broadcast %add3A_372 : i32 to vector<16xi32>
        %add3A_376 = arith.addi %iota3A, %add3A_375 : vector<16xi32>
        %jit3A_377 = arith.constant 0 : i32
        %jit3A_378 = arith.constant 767 : i32
        %max3A = vector.broadcast %jit3A_377 : i32 to vector<16xi32>
        %max3A_379 = arith.maxsi %max3A, %add3A_376 : vector<16xi32>
        %min3A_380 = vector.broadcast %jit3A_378 : i32 to vector<16xi32>
        %min3A_381 = arith.minsi %min3A_380, %max3A_379 : vector<16xi32>
        %add3A_382 = vector.broadcast %add3A_372 : i32 to vector<16xi32>
        %add3A_383 = arith.addi %iota3A, %add3A_382 : vector<16xi32>
        %jit3A_384 = arith.constant 0 : i32
        %jit3A_385 = arith.constant 4095 : i32
        %max3A_386 = vector.broadcast %jit3A_384 : i32 to vector<16xi32>
        %max3A_387 = arith.maxsi %max3A_386, %add3A_383 : vector<16xi32>
        %min3A_388 = vector.broadcast %jit3A_385 : i32 to vector<16xi32>
        %min3A_389 = arith.minsi %min3A_388, %max3A_387 : vector<16xi32>
        %gather3A = tpu.vector_load_idx %arg11[%min3A_389] : memref<4096xi32, #tpu.memory_space<vmem>>[vector<16xi32>], vector<16xi32>,
        %sub3A_390 = vector.broadcast %add3A_327 : i32 to vector<16xi32>
        %sub3A_391 = arith.subi %gather3A, %sub3A_390 : vector<16xi32>
        %jit3A_392 = arith.constant 0 : i32
        %broadcast_in_dim3A_393 = vector.broadcast %jit3A_392 : i32 to vector<16xi32>
        %select_n3A_394 = arith.select %lt3A_374, %sub3A_391, %broadcast_in_dim3A_393 : vector<16xi1>, vector<16xi32>
        %jit3A_395 = arith.constant 0 : i32
        %jit3A_396 = arith.constant 255 : i32
        %max3A_397 = vector.broadcast %jit3A_395 : i32 to vector<16xi32>
        %max3A_398 = arith.maxsi %max3A_397, %select_n3A_394 : vector<16xi32>
        %min3A_399 = vector.broadcast %jit3A_396 : i32 to vector<16xi32>
        %min3A_400 = arith.minsi %min3A_399, %max3A_398 : vector<16xi32>
        %shift_right_arithmetic3A = arith.constant 1 : i32
        %shift_right_arithmetic3A_401 = vector.broadcast %shift_right_arithmetic3A : i32 to vector<16xi32>
        %shift_right_arithmetic3A_402 = arith.shrsi %min3A_381, %shift_right_arithmetic3A_401 : vector<16xi32>
        %and3A_403 = arith.constant 1 : i32
        %and3A_404 = vector.broadcast %and3A_403 : i32 to vector<16xi32>
        %and3A_405 = arith.andi %min3A_381, %and3A_404 : vector<16xi32>
        %mul3A_406 = arith.constant 64 : i32
        %mul3A_407 = vector.broadcast %mul3A_406 : i32 to vector<16xi32>
        %mul3A_408 = arith.muli %and3A_405, %mul3A_407 : vector<16xi32>
        %broadcast_in_dim3A_409 = arith.constant 0.000000e+00 : f32
        %broadcast_in_dim3A_410 = vector.broadcast %broadcast_in_dim3A_409 : f32 to vector<16xf32>
        %scan3A_411 = arith.constant 0 : i32
        %scan3A_412 = arith.constant 32 : i32
        %scan3A_413 = arith.addi %scan3A_411, %scan3A_412 : i32
        %scan3A_414 = arith.constant 1 : i32
        %scan3A_415 = scf.for %scan3A_427 = %scan3A_411 to %scan3A_413 step %scan3A_414 iter_args(%scan3A_428 = %broadcast_in_dim3A_410) -> (vector<16xf32>)  : i32 {
          %mul3A_429 = arith.constant 2 : i32
          %mul3A_430 = arith.muli %mul3A_429, %scan3A_427 : i32
          %broadcast_in_dim3A_431 = vector.broadcast %mul3A_430 : i32 to vector<16xi32>
          %add3A_432 = arith.constant 1 : i32
          %add3A_433 = vector.broadcast %add3A_432 : i32 to vector<16xi32>
          %add3A_434 = arith.addi %broadcast_in_dim3A_431, %add3A_433 : vector<16xi32>
          %gather3A_435 = tpu.vector_load_idx %arg14[%broadcast_in_dim3A_431, %min3A_400] : memref<64x256xf32, #tpu.memory_space<vmem>>[vector<16xi32>, vector<16xi32>], vector<16xf32>,
          %add3A_436 = arith.addi %mul3A_408, %broadcast_in_dim3A_431 : vector<16xi32>
          %gather3A_437 = tpu.vector_load_idx %arg15[%shift_right_arithmetic3A_402, %add3A_436] : memref<384x128xf32, #tpu.memory_space<vmem>>[vector<16xi32>, vector<16xi32>], vector<16xf32>,
          %sub3A_438 = arith.subf %gather3A_437, %gather3A_435 : vector<16xf32>
          %gather3A_439 = tpu.vector_load_idx %arg14[%add3A_434, %min3A_400] : memref<64x256xf32, #tpu.memory_space<vmem>>[vector<16xi32>, vector<16xi32>], vector<16xf32>,
          %add3A_440 = arith.addi %mul3A_408, %add3A_434 : vector<16xi32>
          %gather3A_441 = tpu.vector_load_idx %arg15[%shift_right_arithmetic3A_402, %add3A_440] : memref<384x128xf32, #tpu.memory_space<vmem>>[vector<16xi32>, vector<16xi32>], vector<16xf32>,
          %sub3A_442 = arith.subf %gather3A_441, %gather3A_439 : vector<16xf32>
          %mul3A_443 = arith.mulf %sub3A_438, %sub3A_438 : vector<16xf32>
          %add3A_444 = arith.addf %scan3A_428, %mul3A_443 : vector<16xf32>
          %mul3A_445 = arith.mulf %sub3A_442, %sub3A_442 : vector<16xf32>
          %add3A_446 = arith.addf %add3A_444, %mul3A_445 : vector<16xf32>
          scf.yield %add3A_446 : vector<16xf32>
        }
        %scan3A_416 = arith.constant 32 : i32
        %jit3A_417 = arith.constant 9.99999996E-13 : f32
        %jit3A_418 = arith.constant 9.99999995E+11 : f32
        %max3A_419 = vector.broadcast %jit3A_417 : f32 to vector<16xf32>
        %max3A_420 = arith.maximumf %max3A_419, %scan3A_415 : vector<16xf32>
        %min3A_421 = vector.broadcast %jit3A_418 : f32 to vector<16xf32>
        %min3A_422 = arith.minimumf %min3A_421, %max3A_420 : vector<16xf32>
        %jit3A_423 = arith.constant 0.000000e+00 : f32
        %broadcast_in_dim3A_424 = vector.broadcast %jit3A_423 : f32 to vector<16xf32>
        %select_n3A_425 = arith.select %lt3A_374, %min3A_422, %broadcast_in_dim3A_424 : vector<16xi1>, vector<16xf32>
        %add3A_426 = arith.addf %while3A_369, %select_n3A_425 : vector<16xf32>
        scf.yield %add3A_426 : vector<16xf32>
      }
      %while3A_366 = arith.constant 1 : i32
      %while3A_367 = scf.for %while3A_368 = %while3A_363 to %while3A_359 step %while3A_366 iter_args(%while3A_369 = %while3A_365) -> (vector<16xf32>)  : i32 {
        %mul3A_370 = arith.constant 16 : i32
        %mul3A_371 = arith.muli %while3A_368, %mul3A_370 : i32
        %add3A_372 = arith.addi %get3A_318, %mul3A_371 : i32
        %sub3A_373 = arith.subi %get3A_324, %add3A_372 : i32
        %lt3A = vector.broadcast %sub3A_373 : i32 to vector<16xi32>
        %lt3A_374 = arith.cmpi slt, %iota3A, %lt3A : vector<16xi32>
        %add3A_375 = vector.broadcast %add3A_372 : i32 to vector<16xi32>
        %add3A_376 = arith.addi %iota3A, %add3A_375 : vector<16xi32>
        %jit3A_377 = arith.constant 0 : i32
        %jit3A_378 = arith.constant 767 : i32
        %max3A = vector.broadcast %jit3A_377 : i32 to vector<16xi32>
        %max3A_379 = arith.maxsi %max3A, %add3A_376 : vector<16xi32>
        %min3A_380 = vector.broadcast %jit3A_378 : i32 to vector<16xi32>
        %min3A_381 = arith.minsi %min3A_380, %max3A_379 : vector<16xi32>
        %add3A_382 = vector.broadcast %add3A_372 : i32 to vector<16xi32>
        %add3A_383 = arith.addi %iota3A, %add3A_382 : vector<16xi32>
        %jit3A_384 = arith.constant 0 : i32
        %jit3A_385 = arith.constant 4095 : i32
        %max3A_386 = vector.broadcast %jit3A_384 : i32 to vector<16xi32>
        %max3A_387 = arith.maxsi %max3A_386, %add3A_383 : vector<16xi32>
        %min3A_388 = vector.broadcast %jit3A_385 : i32 to vector<16xi32>
        %min3A_389 = arith.minsi %min3A_388, %max3A_387 : vector<16xi32>
        %gather3A = tpu.vector_load_idx %arg11[%min3A_389] : memref<4096xi32, #tpu.memory_space<vmem>>[vector<16xi32>], vector<16xi32>,
        %sub3A_390 = vector.broadcast %add3A_327 : i32 to vector<16xi32>
        %sub3A_391 = arith.subi %gather3A, %sub3A_390 : vector<16xi32>
        %jit3A_392 = arith.constant 0 : i32
        %broadcast_in_dim3A_393 = vector.broadcast %jit3A_392 : i32 to vector<16xi32>
        %select_n3A_394 = arith.select %lt3A_374, %sub3A_391, %broadcast_in_dim3A_393 : vector<16xi1>, vector<16xi32>
        %jit3A_395 = arith.constant 0 : i32
        %jit3A_396 = arith.constant 255 : i32
        %max3A_397 = vector.broadcast %jit3A_395 : i32 to vector<16xi32>
        %max3A_398 = arith.maxsi %max3A_397, %select_n3A_394 : vector<16xi32>
        %min3A_399 = vector.broadcast %jit3A_396 : i32 to vector<16xi32>
        %min3A_400 = arith.minsi %min3A_399, %max3A_398 : vector<16xi32>
        %shift_right_arithmetic3A = arith.constant 1 : i32
        %shift_right_arithmetic3A_401 = vector.broadcast %shift_right_arithmetic3A : i32 to vector<16xi32>
        %shift_right_arithmetic3A_402 = arith.shrsi %min3A_381, %shift_right_arithmetic3A_401 : vector<16xi32>
        %and3A_403 = arith.constant 1 : i32
        %and3A_404 = vector.broadcast %and3A_403 : i32 to vector<16xi32>
        %and3A_405 = arith.andi %min3A_381, %and3A_404 : vector<16xi32>
        %mul3A_406 = arith.constant 64 : i32
        %mul3A_407 = vector.broadcast %mul3A_406 : i32 to vector<16xi32>
        %mul3A_408 = arith.muli %and3A_405, %mul3A_407 : vector<16xi32>
        %broadcast_in_dim3A_409 = arith.constant 0.000000e+00 : f32
        %broadcast_in_dim3A_410 = vector.broadcast %broadcast_in_dim3A_409 : f32 to vector<16xf32>
        %scan3A_411 = arith.constant 0 : i32
        %scan3A_412 = arith.constant 32 : i32
        %scan3A_413 = arith.addi %scan3A_411, %scan3A_412 : i32
        %scan3A_414 = arith.constant 1 : i32
        %scan3A_415 = scf.for %scan3A_427 = %scan3A_411 to %scan3A_413 step %scan3A_414 iter_args(%scan3A_428 = %broadcast_in_dim3A_410) -> (vector<16xf32>)  : i32 {
          %mul3A_429 = arith.constant 2 : i32
          %mul3A_430 = arith.muli %mul3A_429, %scan3A_427 : i32
          %broadcast_in_dim3A_431 = vector.broadcast %mul3A_430 : i32 to vector<16xi32>
          %add3A_432 = arith.constant 1 : i32
          %add3A_433 = vector.broadcast %add3A_432 : i32 to vector<16xi32>
          %add3A_434 = arith.addi %broadcast_in_dim3A_431, %add3A_433 : vector<16xi32>
          %gather3A_435 = tpu.vector_load_idx %arg14[%broadcast_in_dim3A_431, %min3A_400] : memref<64x256xf32, #tpu.memory_space<vmem>>[vector<16xi32>, vector<16xi32>], vector<16xf32>,
          %add3A_436 = arith.addi %mul3A_408, %broadcast_in_dim3A_431 : vector<16xi32>
          %gather3A_437 = tpu.vector_load_idx %arg15[%shift_right_arithmetic3A_402, %add3A_436] : memref<384x128xf32, #tpu.memory_space<vmem>>[vector<16xi32>, vector<16xi32>], vector<16xf32>,
          %sub3A_438 = arith.subf %gather3A_437, %gather3A_435 : vector<16xf32>
          %gather3A_439 = tpu.vector_load_idx %arg14[%add3A_434, %min3A_400] : memref<64x256xf32, #tpu.memory_space<vmem>>[vector<16xi32>, vector<16xi32>], vector<16xf32>,
          %add3A_440 = arith.addi %mul3A_408, %add3A_434 : vector<16xi32>
          %gather3A_441 = tpu.vector_load_idx %arg15[%shift_right_arithmetic3A_402, %add3A_440] : memref<384x128xf32, #tpu.memory_space<vmem>>[vector<16xi32>, vector<16xi32>], vector<16xf32>,
          %sub3A_442 = arith.subf %gather3A_441, %gather3A_439 : vector<16xf32>
          %mul3A_443 = arith.mulf %sub3A_438, %sub3A_438 : vector<16xf32>
          %add3A_444 = arith.addf %scan3A_428, %mul3A_443 : vector<16xf32>
          %mul3A_445 = arith.mulf %sub3A_442, %sub3A_442 : vector<16xf32>
          %add3A_446 = arith.addf %add3A_444, %mul3A_445 : vector<16xf32>
          scf.yield %add3A_446 : vector<16xf32>
        }
        %scan3A_416 = arith.constant 32 : i32
        %jit3A_417 = arith.constant 9.99999996E-13 : f32
        %jit3A_418 = arith.constant 9.99999995E+11 : f32
        %max3A_419 = vector.broadcast %jit3A_417 : f32 to vector<16xf32>
        %max3A_420 = arith.maximumf %max3A_419, %scan3A_415 : vector<16xf32>
        %min3A_421 = vector.broadcast %jit3A_418 : f32 to vector<16xf32>
        %min3A_422 = arith.minimumf %min3A_421, %max3A_420 : vector<16xf32>
        %jit3A_423 = arith.constant 0.000000e+00 : f32
        %broadcast_in_dim3A_424 = vector.broadcast %jit3A_423 : f32 to vector<16xf32>
        %select_n3A_425 = arith.select %lt3A_374, %min3A_422, %broadcast_in_dim3A_424 : vector<16xi1>, vector<16xf32>
        %add3A_426 = arith.addf %while3A_369, %select_n3A_425 : vector<16xf32>
        scf.yield %add3A_426 : vector<16xf32>
      }
      scf.yield %while3A_367 : vector<16xf32>
    }
    %scan3A_67 = arith.constant 61 : i32
    %add3A_68 = arith.constant 31488 : i32
    %add3A_69 = arith.addi %mul3A_5, %add3A_68 : i32
    %dma_start3A_70 = arith.constant 0 : i32
    %dma_start3A_71 = tpu.memref_slice %arg4[%dma_start3A_70, %add3A_69] : memref<64x1000000xf32, #tpu.memory_space<hbm>> -> memref<64x256xf32, #tpu.memory_space<hbm>>
    %dma_start3A_72 = arith.constant 0 : i32
    %dma_start3A_73 = tpu.memref_slice %arg4[%dma_start3A_72, %add3A_69] : memref<64x1000000xf32, #tpu.memory_space<hbm>> -> memref<64x256xf32, #tpu.memory_space<hbm>>
    tpu.enqueue_dma source(%dma_start3A_73 : memref<64x256xf32, #tpu.memory_space<hbm>>) target(%arg14 : memref<64x256xf32, #tpu.memory_space<vmem>>) target_semaphore(%arg23 : memref<!tpu.dma_semaphore, #tpu.memory_space<semaphore_mem>>)
    %add3A_74 = arith.constant 31232 : i32
    %add3A_75 = arith.addi %mul3A_5, %add3A_74 : i32
    %dma_wait3A = arith.constant 0 : i32
    %dma_wait3A_76 = tpu.memref_slice %arg4[%dma_wait3A, %add3A_75] : memref<64x1000000xf32, #tpu.memory_space<hbm>> -> memref<64x256xf32, #tpu.memory_space<hbm>>
    %dma_wait3A_77 = arith.constant 0 : i32
    %dma_wait3A_78 = tpu.memref_slice %arg4[%dma_wait3A_77, %add3A_75] : memref<64x1000000xf32, #tpu.memory_space<hbm>> -> memref<64x256xf32, #tpu.memory_space<hbm>>
    tpu.wait_dma2 semaphore(%arg22 : memref<!tpu.dma_semaphore, #tpu.memory_space<semaphore_mem>>) src(%dma_wait3A_78 : memref<64x256xf32, #tpu.memory_space<hbm>>) dst(%arg13 : memref<64x256xf32, #tpu.memory_space<vmem>>)
    %get3A_79 = arith.constant 244 : i32
    %get3A_80 = arith.index_cast %get3A_79 : i32 to index
    %get3A_81 = memref.load %arg20[%get3A_80] : memref<256xi32, #tpu.memory_space<smem>>
    %get3A_82 = arith.constant 246 : i32
    %get3A_83 = arith.index_cast %get3A_82 : i32 to index
    %get3A_84 = memref.load %arg20[%get3A_83] : memref<256xi32, #tpu.memory_space<smem>>
    %add3A_85 = arith.constant 31232 : i32
    %add3A_86 = arith.addi %mul3A_5, %add3A_85 : i32
    %sub3A = arith.subi %get3A_84, %get3A_81 : i32
    %add3A_87 = arith.constant 16 : i32
    %add3A_88 = arith.addi %sub3A, %add3A_87 : i32
    %sub3A_89 = arith.constant 1 : i32
    %sub3A_90 = arith.subi %add3A_88, %sub3A_89 : i32
    %jit3A_91 = arith.constant 16 : i32
    %div3A = arith.divsi %sub3A_90, %jit3A_91 : i32
    %sign3A = arith.constant 0 : i32
    %sign3A_92 = arith.cmpi sgt, %sub3A_90, %sign3A : i32
    %sign3A_93 = arith.extui %sign3A_92 : i1 to i32
    %sign3A_94 = arith.constant 0 : i32
    %sign3A_95 = arith.cmpi slt, %sub3A_90, %sign3A_94 : i32
    %sign3A_96 = arith.extui %sign3A_95 : i1 to i32
    %sign3A_97 = arith.subi %sign3A_93, %sign3A_96 : i32
    %sign3A_98 = arith.constant 0 : i32
    %sign3A_99 = arith.cmpi sgt, %jit3A_91, %sign3A_98 : i32
    %sign3A_100 = arith.extui %sign3A_99 : i1 to i32
    %sign3A_101 = arith.constant 0 : i32
    %sign3A_102 = arith.cmpi slt, %jit3A_91, %sign3A_101 : i32
    %sign3A_103 = arith.extui %sign3A_102 : i1 to i32
    %sign3A_104 = arith.subi %sign3A_100, %sign3A_103 : i32
    %ne3A = arith.cmpi ne, %sign3A_97, %sign3A_104 : i32
    %rem3A = arith.remsi %sub3A_90, %jit3A_91 : i32
    %ne3A_105 = arith.constant 0 : i32
    %ne3A_106 = arith.cmpi ne, %rem3A, %ne3A_105 : i32
    %and3A = arith.andi %ne3A, %ne3A_106 : i1
    %sub3A_107 = arith.constant 1 : i32
    %sub3A_108 = arith.subi %div3A, %sub3A_107 : i32
    %select_n3A_109 = arith.select %and3A, %sub3A_108, %div3A : i32
    %while3A = arith.constant 0 : i32
    %while3A_110 = arith.subi %select_n3A_109, %while3A : i32
    %while3A_111 = arith.addi %while3A, %while3A_110 : i32
    %while3A_112 = arith.constant 1 : i32
    %while3A_113 = arith.divsi %while3A_110, %while3A_112 : i32
    %while3A_114 = arith.muli %while3A_113, %while3A_112 : i32
    %while3A_115 = arith.addi %while3A, %while3A_114 : i32
    %while3A_116 = arith.constant 1 : i32
    %while3A_117 = scf.for %while3A_222 = %while3A to %while3A_115 step %while3A_116 iter_args(%while3A_223 = %scan3A_66) -> (vector<16xf32>)  : i32 {
      %mul3A_224 = arith.constant 16 : i32
      %mul3A_225 = arith.muli %while3A_222, %mul3A_224 : i32
      %add3A_226 = arith.addi %get3A_81, %mul3A_225 : i32
      %sub3A_227 = arith.subi %get3A_84, %add3A_226 : i32
      %lt3A = vector.broadcast %sub3A_227 : i32 to vector<16xi32>
      %lt3A_228 = arith.cmpi slt, %iota3A, %lt3A : vector<16xi32>
      %add3A_229 = vector.broadcast %add3A_226 : i32 to vector<16xi32>
      %add3A_230 = arith.addi %iota3A, %add3A_229 : vector<16xi32>
      %jit3A_231 = arith.constant 0 : i32
      %jit3A_232 = arith.constant 767 : i32
      %max3A = vector.broadcast %jit3A_231 : i32 to vector<16xi32>
      %max3A_233 = arith.maxsi %max3A, %add3A_230 : vector<16xi32>
      %min3A_234 = vector.broadcast %jit3A_232 : i32 to vector<16xi32>
      %min3A_235 = arith.minsi %min3A_234, %max3A_233 : vector<16xi32>
      %add3A_236 = vector.broadcast %add3A_226 : i32 to vector<16xi32>
      %add3A_237 = arith.addi %iota3A, %add3A_236 : vector<16xi32>
      %jit3A_238 = arith.constant 0 : i32
      %jit3A_239 = arith.constant 4095 : i32
      %max3A_240 = vector.broadcast %jit3A_238 : i32 to vector<16xi32>
      %max3A_241 = arith.maxsi %max3A_240, %add3A_237 : vector<16xi32>
      %min3A_242 = vector.broadcast %jit3A_239 : i32 to vector<16xi32>
      %min3A_243 = arith.minsi %min3A_242, %max3A_241 : vector<16xi32>
      %gather3A = tpu.vector_load_idx %arg11[%min3A_243] : memref<4096xi32, #tpu.memory_space<vmem>>[vector<16xi32>], vector<16xi32>,
      %sub3A_244 = vector.broadcast %add3A_86 : i32 to vector<16xi32>
      %sub3A_245 = arith.subi %gather3A, %sub3A_244 : vector<16xi32>
      %jit3A_246 = arith.constant 0 : i32
      %broadcast_in_dim3A_247 = vector.broadcast %jit3A_246 : i32 to vector<16xi32>
      %select_n3A_248 = arith.select %lt3A_228, %sub3A_245, %broadcast_in_dim3A_247 : vector<16xi1>, vector<16xi32>
      %jit3A_249 = arith.constant 0 : i32
      %jit3A_250 = arith.constant 255 : i32
      %max3A_251 = vector.broadcast %jit3A_249 : i32 to vector<16xi32>
      %max3A_252 = arith.maxsi %max3A_251, %select_n3A_248 : vector<16xi32>
      %min3A_253 = vector.broadcast %jit3A_250 : i32 to vector<16xi32>
      %min3A_254 = arith.minsi %min3A_253, %max3A_252 : vector<16xi32>
      %shift_right_arithmetic3A = arith.constant 1 : i32
      %shift_right_arithmetic3A_255 = vector.broadcast %shift_right_arithmetic3A : i32 to vector<16xi32>
      %shift_right_arithmetic3A_256 = arith.shrsi %min3A_235, %shift_right_arithmetic3A_255 : vector<16xi32>
      %and3A_257 = arith.constant 1 : i32
      %and3A_258 = vector.broadcast %and3A_257 : i32 to vector<16xi32>
      %and3A_259 = arith.andi %min3A_235, %and3A_258 : vector<16xi32>
      %mul3A_260 = arith.constant 64 : i32
      %mul3A_261 = vector.broadcast %mul3A_260 : i32 to vector<16xi32>
      %mul3A_262 = arith.muli %and3A_259, %mul3A_261 : vector<16xi32>
      %broadcast_in_dim3A_263 = arith.constant 0.000000e+00 : f32
      %broadcast_in_dim3A_264 = vector.broadcast %broadcast_in_dim3A_263 : f32 to vector<16xf32>
      %scan3A_265 = arith.constant 0 : i32
      %scan3A_266 = arith.constant 32 : i32
      %scan3A_267 = arith.addi %scan3A_265, %scan3A_266 : i32
      %scan3A_268 = arith.constant 1 : i32
      %scan3A_269 = scf.for %scan3A_281 = %scan3A_265 to %scan3A_267 step %scan3A_268 iter_args(%scan3A_282 = %broadcast_in_dim3A_264) -> (vector<16xf32>)  : i32 {
        %mul3A_283 = arith.constant 2 : i32
        %mul3A_284 = arith.muli %mul3A_283, %scan3A_281 : i32
        %broadcast_in_dim3A_285 = vector.broadcast %mul3A_284 : i32 to vector<16xi32>
        %add3A_286 = arith.constant 1 : i32
        %add3A_287 = vector.broadcast %add3A_286 : i32 to vector<16xi32>
        %add3A_288 = arith.addi %broadcast_in_dim3A_285, %add3A_287 : vector<16xi32>
        %gather3A_289 = tpu.vector_load_idx %arg13[%broadcast_in_dim3A_285, %min3A_254] : memref<64x256xf32, #tpu.memory_space<vmem>>[vector<16xi32>, vector<16xi32>], vector<16xf32>,
        %add3A_290 = arith.addi %mul3A_262, %broadcast_in_dim3A_285 : vector<16xi32>
        %gather3A_291 = tpu.vector_load_idx %arg15[%shift_right_arithmetic3A_256, %add3A_290] : memref<384x128xf32, #tpu.memory_space<vmem>>[vector<16xi32>, vector<16xi32>], vector<16xf32>,
        %sub3A_292 = arith.subf %gather3A_291, %gather3A_289 : vector<16xf32>
        %gather3A_293 = tpu.vector_load_idx %arg13[%add3A_288, %min3A_254] : memref<64x256xf32, #tpu.memory_space<vmem>>[vector<16xi32>, vector<16xi32>], vector<16xf32>,
        %add3A_294 = arith.addi %mul3A_262, %add3A_288 : vector<16xi32>
        %gather3A_295 = tpu.vector_load_idx %arg15[%shift_right_arithmetic3A_256, %add3A_294] : memref<384x128xf32, #tpu.memory_space<vmem>>[vector<16xi32>, vector<16xi32>], vector<16xf32>,
        %sub3A_296 = arith.subf %gather3A_295, %gather3A_293 : vector<16xf32>
        %mul3A_297 = arith.mulf %sub3A_292, %sub3A_292 : vector<16xf32>
        %add3A_298 = arith.addf %scan3A_282, %mul3A_297 : vector<16xf32>
        %mul3A_299 = arith.mulf %sub3A_296, %sub3A_296 : vector<16xf32>
        %add3A_300 = arith.addf %add3A_298, %mul3A_299 : vector<16xf32>
        scf.yield %add3A_300 : vector<16xf32>
      }
      %scan3A_270 = arith.constant 32 : i32
      %jit3A_271 = arith.constant 9.99999996E-13 : f32
      %jit3A_272 = arith.constant 9.99999995E+11 : f32
      %max3A_273 = vector.broadcast %jit3A_271 : f32 to vector<16xf32>
      %max3A_274 = arith.maximumf %max3A_273, %scan3A_269 : vector<16xf32>
      %min3A_275 = vector.broadcast %jit3A_272 : f32 to vector<16xf32>
      %min3A_276 = arith.minimumf %min3A_275, %max3A_274 : vector<16xf32>
      %jit3A_277 = arith.constant 0.000000e+00 : f32
      %broadcast_in_dim3A_278 = vector.broadcast %jit3A_277 : f32 to vector<16xf32>
      %select_n3A_279 = arith.select %lt3A_228, %min3A_276, %broadcast_in_dim3A_278 : vector<16xi1>, vector<16xf32>
      %add3A_280 = arith.addf %while3A_223, %select_n3A_279 : vector<16xf32>
      scf.yield %add3A_280 : vector<16xf32>
    }
    %while3A_118 = arith.constant 1 : i32
    %while3A_119 = scf.for %while3A_222 = %while3A_115 to %while3A_111 step %while3A_118 iter_args(%while3A_223 = %while3A_117) -> (vector<16xf32>)  : i32 {
      %mul3A_224 = arith.constant 16 : i32
      %mul3A_225 = arith.muli %while3A_222, %mul3A_224 : i32
      %add3A_226 = arith.addi %get3A_81, %mul3A_225 : i32
      %sub3A_227 = arith.subi %get3A_84, %add3A_226 : i32
      %lt3A = vector.broadcast %sub3A_227 : i32 to vector<16xi32>
      %lt3A_228 = arith.cmpi slt, %iota3A, %lt3A : vector<16xi32>
      %add3A_229 = vector.broadcast %add3A_226 : i32 to vector<16xi32>
      %add3A_230 = arith.addi %iota3A, %add3A_229 : vector<16xi32>
      %jit3A_231 = arith.constant 0 : i32
      %jit3A_232 = arith.constant 767 : i32
      %max3A = vector.broadcast %jit3A_231 : i32 to vector<16xi32>
      %max3A_233 = arith.maxsi %max3A, %add3A_230 : vector<16xi32>
      %min3A_234 = vector.broadcast %jit3A_232 : i32 to vector<16xi32>
      %min3A_235 = arith.minsi %min3A_234, %max3A_233 : vector<16xi32>
      %add3A_236 = vector.broadcast %add3A_226 : i32 to vector<16xi32>
      %add3A_237 = arith.addi %iota3A, %add3A_236 : vector<16xi32>
      %jit3A_238 = arith.constant 0 : i32
      %jit3A_239 = arith.constant 4095 : i32
      %max3A_240 = vector.broadcast %jit3A_238 : i32 to vector<16xi32>
      %max3A_241 = arith.maxsi %max3A_240, %add3A_237 : vector<16xi32>
      %min3A_242 = vector.broadcast %jit3A_239 : i32 to vector<16xi32>
      %min3A_243 = arith.minsi %min3A_242, %max3A_241 : vector<16xi32>
      %gather3A = tpu.vector_load_idx %arg11[%min3A_243] : memref<4096xi32, #tpu.memory_space<vmem>>[vector<16xi32>], vector<16xi32>,
      %sub3A_244 = vector.broadcast %add3A_86 : i32 to vector<16xi32>
      %sub3A_245 = arith.subi %gather3A, %sub3A_244 : vector<16xi32>
      %jit3A_246 = arith.constant 0 : i32
      %broadcast_in_dim3A_247 = vector.broadcast %jit3A_246 : i32 to vector<16xi32>
      %select_n3A_248 = arith.select %lt3A_228, %sub3A_245, %broadcast_in_dim3A_247 : vector<16xi1>, vector<16xi32>
      %jit3A_249 = arith.constant 0 : i32
      %jit3A_250 = arith.constant 255 : i32
      %max3A_251 = vector.broadcast %jit3A_249 : i32 to vector<16xi32>
      %max3A_252 = arith.maxsi %max3A_251, %select_n3A_248 : vector<16xi32>
      %min3A_253 = vector.broadcast %jit3A_250 : i32 to vector<16xi32>
      %min3A_254 = arith.minsi %min3A_253, %max3A_252 : vector<16xi32>
      %shift_right_arithmetic3A = arith.constant 1 : i32
      %shift_right_arithmetic3A_255 = vector.broadcast %shift_right_arithmetic3A : i32 to vector<16xi32>
      %shift_right_arithmetic3A_256 = arith.shrsi %min3A_235, %shift_right_arithmetic3A_255 : vector<16xi32>
      %and3A_257 = arith.constant 1 : i32
      %and3A_258 = vector.broadcast %and3A_257 : i32 to vector<16xi32>
      %and3A_259 = arith.andi %min3A_235, %and3A_258 : vector<16xi32>
      %mul3A_260 = arith.constant 64 : i32
      %mul3A_261 = vector.broadcast %mul3A_260 : i32 to vector<16xi32>
      %mul3A_262 = arith.muli %and3A_259, %mul3A_261 : vector<16xi32>
      %broadcast_in_dim3A_263 = arith.constant 0.000000e+00 : f32
      %broadcast_in_dim3A_264 = vector.broadcast %broadcast_in_dim3A_263 : f32 to vector<16xf32>
      %scan3A_265 = arith.constant 0 : i32
      %scan3A_266 = arith.constant 32 : i32
      %scan3A_267 = arith.addi %scan3A_265, %scan3A_266 : i32
      %scan3A_268 = arith.constant 1 : i32
      %scan3A_269 = scf.for %scan3A_281 = %scan3A_265 to %scan3A_267 step %scan3A_268 iter_args(%scan3A_282 = %broadcast_in_dim3A_264) -> (vector<16xf32>)  : i32 {
        %mul3A_283 = arith.constant 2 : i32
        %mul3A_284 = arith.muli %mul3A_283, %scan3A_281 : i32
        %broadcast_in_dim3A_285 = vector.broadcast %mul3A_284 : i32 to vector<16xi32>
        %add3A_286 = arith.constant 1 : i32
        %add3A_287 = vector.broadcast %add3A_286 : i32 to vector<16xi32>
        %add3A_288 = arith.addi %broadcast_in_dim3A_285, %add3A_287 : vector<16xi32>
        %gather3A_289 = tpu.vector_load_idx %arg13[%broadcast_in_dim3A_285, %min3A_254] : memref<64x256xf32, #tpu.memory_space<vmem>>[vector<16xi32>, vector<16xi32>], vector<16xf32>,
        %add3A_290 = arith.addi %mul3A_262, %broadcast_in_dim3A_285 : vector<16xi32>
        %gather3A_291 = tpu.vector_load_idx %arg15[%shift_right_arithmetic3A_256, %add3A_290] : memref<384x128xf32, #tpu.memory_space<vmem>>[vector<16xi32>, vector<16xi32>], vector<16xf32>,
        %sub3A_292 = arith.subf %gather3A_291, %gather3A_289 : vector<16xf32>
        %gather3A_293 = tpu.vector_load_idx %arg13[%add3A_288, %min3A_254] : memref<64x256xf32, #tpu.memory_space<vmem>>[vector<16xi32>, vector<16xi32>], vector<16xf32>,
        %add3A_294 = arith.addi %mul3A_262, %add3A_288 : vector<16xi32>
        %gather3A_295 = tpu.vector_load_idx %arg15[%shift_right_arithmetic3A_256, %add3A_294] : memref<384x128xf32, #tpu.memory_space<vmem>>[vector<16xi32>, vector<16xi32>], vector<16xf32>,
        %sub3A_296 = arith.subf %gather3A_295, %gather3A_293 : vector<16xf32>
        %mul3A_297 = arith.mulf %sub3A_292, %sub3A_292 : vector<16xf32>
        %add3A_298 = arith.addf %scan3A_282, %mul3A_297 : vector<16xf32>
        %mul3A_299 = arith.mulf %sub3A_296, %sub3A_296 : vector<16xf32>
        %add3A_300 = arith.addf %add3A_298, %mul3A_299 : vector<16xf32>
        scf.yield %add3A_300 : vector<16xf32>
      }
      %scan3A_270 = arith.constant 32 : i32
      %jit3A_271 = arith.constant 9.99999996E-13 : f32
      %jit3A_272 = arith.constant 9.99999995E+11 : f32
      %max3A_273 = vector.broadcast %jit3A_271 : f32 to vector<16xf32>
      %max3A_274 = arith.maximumf %max3A_273, %scan3A_269 : vector<16xf32>
      %min3A_275 = vector.broadcast %jit3A_272 : f32 to vector<16xf32>
      %min3A_276 = arith.minimumf %min3A_275, %max3A_274 : vector<16xf32>
      %jit3A_277 = arith.constant 0.000000e+00 : f32
      %broadcast_in_dim3A_278 = vector.broadcast %jit3A_277 : f32 to vector<16xf32>
      %select_n3A_279 = arith.select %lt3A_228, %min3A_276, %broadcast_in_dim3A_278 : vector<16xi1>, vector<16xf32>
      %add3A_280 = arith.addf %while3A_223, %select_n3A_279 : vector<16xf32>
      scf.yield %add3A_280 : vector<16xf32>
    }
    %add3A_120 = arith.constant 31488 : i32
    %add3A_121 = arith.addi %mul3A_5, %add3A_120 : i32
    %dma_wait3A_122 = arith.constant 0 : i32
    %dma_wait3A_123 = tpu.memref_slice %arg4[%dma_wait3A_122, %add3A_121] : memref<64x1000000xf32, #tpu.memory_space<hbm>> -> memref<64x256xf32, #tpu.memory_space<hbm>>
    %dma_wait3A_124 = arith.constant 0 : i32
    %dma_wait3A_125 = tpu.memref_slice %arg4[%dma_wait3A_124, %add3A_121] : memref<64x1000000xf32, #tpu.memory_space<hbm>> -> memref<64x256xf32, #tpu.memory_space<hbm>>
    tpu.wait_dma2 semaphore(%arg23 : memref<!tpu.dma_semaphore, #tpu.memory_space<semaphore_mem>>) src(%dma_wait3A_125 : memref<64x256xf32, #tpu.memory_space<hbm>>) dst(%arg14 : memref<64x256xf32, #tpu.memory_space<vmem>>)
    %get3A_126 = arith.constant 246 : i32
    %get3A_127 = arith.index_cast %get3A_126 : i32 to index
    %get3A_128 = memref.load %arg20[%get3A_127] : memref<256xi32, #tpu.memory_space<smem>>
    %get3A_129 = arith.constant 248 : i32
    %get3A_130 = arith.index_cast %get3A_129 : i32 to index
    %get3A_131 = memref.load %arg20[%get3A_130] : memref<256xi32, #tpu.memory_space<smem>>
    %add3A_132 = arith.constant 31488 : i32
    %add3A_133 = arith.addi %mul3A_5, %add3A_132 : i32
    %sub3A_134 = arith.subi %get3A_131, %get3A_128 : i32
    %add3A_135 = arith.constant 16 : i32
    %add3A_136 = arith.addi %sub3A_134, %add3A_135 : i32
    %sub3A_137 = arith.constant 1 : i32
    %sub3A_138 = arith.subi %add3A_136, %sub3A_137 : i32
    %jit3A_139 = arith.constant 16 : i32
    %div3A_140 = arith.divsi %sub3A_138, %jit3A_139 : i32
    %sign3A_141 = arith.constant 0 : i32
    %sign3A_142 = arith.cmpi sgt, %sub3A_138, %sign3A_141 : i32
    %sign3A_143 = arith.extui %sign3A_142 : i1 to i32
    %sign3A_144 = arith.constant 0 : i32
    %sign3A_145 = arith.cmpi slt, %sub3A_138, %sign3A_144 : i32
    %sign3A_146 = arith.extui %sign3A_145 : i1 to i32
    %sign3A_147 = arith.subi %sign3A_143, %sign3A_146 : i32
    %sign3A_148 = arith.constant 0 : i32
    %sign3A_149 = arith.cmpi sgt, %jit3A_139, %sign3A_148 : i32
    %sign3A_150 = arith.extui %sign3A_149 : i1 to i32
    %sign3A_151 = arith.constant 0 : i32
    %sign3A_152 = arith.cmpi slt, %jit3A_139, %sign3A_151 : i32
    %sign3A_153 = arith.extui %sign3A_152 : i1 to i32
    %sign3A_154 = arith.subi %sign3A_150, %sign3A_153 : i32
    %ne3A_155 = arith.cmpi ne, %sign3A_147, %sign3A_154 : i32
    %rem3A_156 = arith.remsi %sub3A_138, %jit3A_139 : i32
    %ne3A_157 = arith.constant 0 : i32
    %ne3A_158 = arith.cmpi ne, %rem3A_156, %ne3A_157 : i32
    %and3A_159 = arith.andi %ne3A_155, %ne3A_158 : i1
    %sub3A_160 = arith.constant 1 : i32
    %sub3A_161 = arith.subi %div3A_140, %sub3A_160 : i32
    %select_n3A_162 = arith.select %and3A_159, %sub3A_161, %div3A_140 : i32
    %while3A_163 = arith.constant 0 : i32
    %while3A_164 = arith.subi %select_n3A_162, %while3A_163 : i32
    %while3A_165 = arith.addi %while3A_163, %while3A_164 : i32
    %while3A_166 = arith.constant 1 : i32
    %while3A_167 = arith.divsi %while3A_164, %while3A_166 : i32
    %while3A_168 = arith.muli %while3A_167, %while3A_166 : i32
    %while3A_169 = arith.addi %while3A_163, %while3A_168 : i32
    %while3A_170 = arith.constant 1 : i32
    %while3A_171 = scf.for %while3A_222 = %while3A_163 to %while3A_169 step %while3A_170 iter_args(%while3A_223 = %while3A_119) -> (vector<16xf32>)  : i32 {
      %mul3A_224 = arith.constant 16 : i32
      %mul3A_225 = arith.muli %while3A_222, %mul3A_224 : i32
      %add3A_226 = arith.addi %get3A_128, %mul3A_225 : i32
      %sub3A_227 = arith.subi %get3A_131, %add3A_226 : i32
      %lt3A = vector.broadcast %sub3A_227 : i32 to vector<16xi32>
      %lt3A_228 = arith.cmpi slt, %iota3A, %lt3A : vector<16xi32>
      %add3A_229 = vector.broadcast %add3A_226 : i32 to vector<16xi32>
      %add3A_230 = arith.addi %iota3A, %add3A_229 : vector<16xi32>
      %jit3A_231 = arith.constant 0 : i32
      %jit3A_232 = arith.constant 767 : i32
      %max3A = vector.broadcast %jit3A_231 : i32 to vector<16xi32>
      %max3A_233 = arith.maxsi %max3A, %add3A_230 : vector<16xi32>
      %min3A_234 = vector.broadcast %jit3A_232 : i32 to vector<16xi32>
      %min3A_235 = arith.minsi %min3A_234, %max3A_233 : vector<16xi32>
      %add3A_236 = vector.broadcast %add3A_226 : i32 to vector<16xi32>
      %add3A_237 = arith.addi %iota3A, %add3A_236 : vector<16xi32>
      %jit3A_238 = arith.constant 0 : i32
      %jit3A_239 = arith.constant 4095 : i32
      %max3A_240 = vector.broadcast %jit3A_238 : i32 to vector<16xi32>
      %max3A_241 = arith.maxsi %max3A_240, %add3A_237 : vector<16xi32>
      %min3A_242 = vector.broadcast %jit3A_239 : i32 to vector<16xi32>
      %min3A_243 = arith.minsi %min3A_242, %max3A_241 : vector<16xi32>
      %gather3A = tpu.vector_load_idx %arg11[%min3A_243] : memref<4096xi32, #tpu.memory_space<vmem>>[vector<16xi32>], vector<16xi32>,
      %sub3A_244 = vector.broadcast %add3A_133 : i32 to vector<16xi32>
      %sub3A_245 = arith.subi %gather3A, %sub3A_244 : vector<16xi32>
      %jit3A_246 = arith.constant 0 : i32
      %broadcast_in_dim3A_247 = vector.broadcast %jit3A_246 : i32 to vector<16xi32>
      %select_n3A_248 = arith.select %lt3A_228, %sub3A_245, %broadcast_in_dim3A_247 : vector<16xi1>, vector<16xi32>
      %jit3A_249 = arith.constant 0 : i32
      %jit3A_250 = arith.constant 255 : i32
      %max3A_251 = vector.broadcast %jit3A_249 : i32 to vector<16xi32>
      %max3A_252 = arith.maxsi %max3A_251, %select_n3A_248 : vector<16xi32>
      %min3A_253 = vector.broadcast %jit3A_250 : i32 to vector<16xi32>
      %min3A_254 = arith.minsi %min3A_253, %max3A_252 : vector<16xi32>
      %shift_right_arithmetic3A = arith.constant 1 : i32
      %shift_right_arithmetic3A_255 = vector.broadcast %shift_right_arithmetic3A : i32 to vector<16xi32>
      %shift_right_arithmetic3A_256 = arith.shrsi %min3A_235, %shift_right_arithmetic3A_255 : vector<16xi32>
      %and3A_257 = arith.constant 1 : i32
      %and3A_258 = vector.broadcast %and3A_257 : i32 to vector<16xi32>
      %and3A_259 = arith.andi %min3A_235, %and3A_258 : vector<16xi32>
      %mul3A_260 = arith.constant 64 : i32
      %mul3A_261 = vector.broadcast %mul3A_260 : i32 to vector<16xi32>
      %mul3A_262 = arith.muli %and3A_259, %mul3A_261 : vector<16xi32>
      %broadcast_in_dim3A_263 = arith.constant 0.000000e+00 : f32
      %broadcast_in_dim3A_264 = vector.broadcast %broadcast_in_dim3A_263 : f32 to vector<16xf32>
      %scan3A_265 = arith.constant 0 : i32
      %scan3A_266 = arith.constant 32 : i32
      %scan3A_267 = arith.addi %scan3A_265, %scan3A_266 : i32
      %scan3A_268 = arith.constant 1 : i32
      %scan3A_269 = scf.for %scan3A_281 = %scan3A_265 to %scan3A_267 step %scan3A_268 iter_args(%scan3A_282 = %broadcast_in_dim3A_264) -> (vector<16xf32>)  : i32 {
        %mul3A_283 = arith.constant 2 : i32
        %mul3A_284 = arith.muli %mul3A_283, %scan3A_281 : i32
        %broadcast_in_dim3A_285 = vector.broadcast %mul3A_284 : i32 to vector<16xi32>
        %add3A_286 = arith.constant 1 : i32
        %add3A_287 = vector.broadcast %add3A_286 : i32 to vector<16xi32>
        %add3A_288 = arith.addi %broadcast_in_dim3A_285, %add3A_287 : vector<16xi32>
        %gather3A_289 = tpu.vector_load_idx %arg14[%broadcast_in_dim3A_285, %min3A_254] : memref<64x256xf32, #tpu.memory_space<vmem>>[vector<16xi32>, vector<16xi32>], vector<16xf32>,
        %add3A_290 = arith.addi %mul3A_262, %broadcast_in_dim3A_285 : vector<16xi32>
        %gather3A_291 = tpu.vector_load_idx %arg15[%shift_right_arithmetic3A_256, %add3A_290] : memref<384x128xf32, #tpu.memory_space<vmem>>[vector<16xi32>, vector<16xi32>], vector<16xf32>,
        %sub3A_292 = arith.subf %gather3A_291, %gather3A_289 : vector<16xf32>
        %gather3A_293 = tpu.vector_load_idx %arg14[%add3A_288, %min3A_254] : memref<64x256xf32, #tpu.memory_space<vmem>>[vector<16xi32>, vector<16xi32>], vector<16xf32>,
        %add3A_294 = arith.addi %mul3A_262, %add3A_288 : vector<16xi32>
        %gather3A_295 = tpu.vector_load_idx %arg15[%shift_right_arithmetic3A_256, %add3A_294] : memref<384x128xf32, #tpu.memory_space<vmem>>[vector<16xi32>, vector<16xi32>], vector<16xf32>,
        %sub3A_296 = arith.subf %gather3A_295, %gather3A_293 : vector<16xf32>
        %mul3A_297 = arith.mulf %sub3A_292, %sub3A_292 : vector<16xf32>
        %add3A_298 = arith.addf %scan3A_282, %mul3A_297 : vector<16xf32>
        %mul3A_299 = arith.mulf %sub3A_296, %sub3A_296 : vector<16xf32>
        %add3A_300 = arith.addf %add3A_298, %mul3A_299 : vector<16xf32>
        scf.yield %add3A_300 : vector<16xf32>
      }
      %scan3A_270 = arith.constant 32 : i32
      %jit3A_271 = arith.constant 9.99999996E-13 : f32
      %jit3A_272 = arith.constant 9.99999995E+11 : f32
      %max3A_273 = vector.broadcast %jit3A_271 : f32 to vector<16xf32>
      %max3A_274 = arith.maximumf %max3A_273, %scan3A_269 : vector<16xf32>
      %min3A_275 = vector.broadcast %jit3A_272 : f32 to vector<16xf32>
      %min3A_276 = arith.minimumf %min3A_275, %max3A_274 : vector<16xf32>
      %jit3A_277 = arith.constant 0.000000e+00 : f32
      %broadcast_in_dim3A_278 = vector.broadcast %jit3A_277 : f32 to vector<16xf32>
      %select_n3A_279 = arith.select %lt3A_228, %min3A_276, %broadcast_in_dim3A_278 : vector<16xi1>, vector<16xf32>
      %add3A_280 = arith.addf %while3A_223, %select_n3A_279 : vector<16xf32>
      scf.yield %add3A_280 : vector<16xf32>
    }
    %while3A_172 = arith.constant 1 : i32
    %while3A_173 = scf.for %while3A_222 = %while3A_169 to %while3A_165 step %while3A_172 iter_args(%while3A_223 = %while3A_171) -> (vector<16xf32>)  : i32 {
      %mul3A_224 = arith.constant 16 : i32
      %mul3A_225 = arith.muli %while3A_222, %mul3A_224 : i32
      %add3A_226 = arith.addi %get3A_128, %mul3A_225 : i32
      %sub3A_227 = arith.subi %get3A_131, %add3A_226 : i32
      %lt3A = vector.broadcast %sub3A_227 : i32 to vector<16xi32>
      %lt3A_228 = arith.cmpi slt, %iota3A, %lt3A : vector<16xi32>
      %add3A_229 = vector.broadcast %add3A_226 : i32 to vector<16xi32>
      %add3A_230 = arith.addi %iota3A, %add3A_229 : vector<16xi32>
      %jit3A_231 = arith.constant 0 : i32
      %jit3A_232 = arith.constant 767 : i32
      %max3A = vector.broadcast %jit3A_231 : i32 to vector<16xi32>
      %max3A_233 = arith.maxsi %max3A, %add3A_230 : vector<16xi32>
      %min3A_234 = vector.broadcast %jit3A_232 : i32 to vector<16xi32>
      %min3A_235 = arith.minsi %min3A_234, %max3A_233 : vector<16xi32>
      %add3A_236 = vector.broadcast %add3A_226 : i32 to vector<16xi32>
      %add3A_237 = arith.addi %iota3A, %add3A_236 : vector<16xi32>
      %jit3A_238 = arith.constant 0 : i32
      %jit3A_239 = arith.constant 4095 : i32
      %max3A_240 = vector.broadcast %jit3A_238 : i32 to vector<16xi32>
      %max3A_241 = arith.maxsi %max3A_240, %add3A_237 : vector<16xi32>
      %min3A_242 = vector.broadcast %jit3A_239 : i32 to vector<16xi32>
      %min3A_243 = arith.minsi %min3A_242, %max3A_241 : vector<16xi32>
      %gather3A = tpu.vector_load_idx %arg11[%min3A_243] : memref<4096xi32, #tpu.memory_space<vmem>>[vector<16xi32>], vector<16xi32>,
      %sub3A_244 = vector.broadcast %add3A_133 : i32 to vector<16xi32>
      %sub3A_245 = arith.subi %gather3A, %sub3A_244 : vector<16xi32>
      %jit3A_246 = arith.constant 0 : i32
      %broadcast_in_dim3A_247 = vector.broadcast %jit3A_246 : i32 to vector<16xi32>
      %select_n3A_248 = arith.select %lt3A_228, %sub3A_245, %broadcast_in_dim3A_247 : vector<16xi1>, vector<16xi32>
      %jit3A_249 = arith.constant 0 : i32
      %jit3A_250 = arith.constant 255 : i32
      %max3A_251 = vector.broadcast %jit3A_249 : i32 to vector<16xi32>
      %max3A_252 = arith.maxsi %max3A_251, %select_n3A_248 : vector<16xi32>
      %min3A_253 = vector.broadcast %jit3A_250 : i32 to vector<16xi32>
      %min3A_254 = arith.minsi %min3A_253, %max3A_252 : vector<16xi32>
      %shift_right_arithmetic3A = arith.constant 1 : i32
      %shift_right_arithmetic3A_255 = vector.broadcast %shift_right_arithmetic3A : i32 to vector<16xi32>
      %shift_right_arithmetic3A_256 = arith.shrsi %min3A_235, %shift_right_arithmetic3A_255 : vector<16xi32>
      %and3A_257 = arith.constant 1 : i32
      %and3A_258 = vector.broadcast %and3A_257 : i32 to vector<16xi32>
      %and3A_259 = arith.andi %min3A_235, %and3A_258 : vector<16xi32>
      %mul3A_260 = arith.constant 64 : i32
      %mul3A_261 = vector.broadcast %mul3A_260 : i32 to vector<16xi32>
      %mul3A_262 = arith.muli %and3A_259, %mul3A_261 : vector<16xi32>
      %broadcast_in_dim3A_263 = arith.constant 0.000000e+00 : f32
      %broadcast_in_dim3A_264 = vector.broadcast %broadcast_in_dim3A_263 : f32 to vector<16xf32>
      %scan3A_265 = arith.constant 0 : i32
      %scan3A_266 = arith.constant 32 : i32
      %scan3A_267 = arith.addi %scan3A_265, %scan3A_266 : i32
      %scan3A_268 = arith.constant 1 : i32
      %scan3A_269 = scf.for %scan3A_281 = %scan3A_265 to %scan3A_267 step %scan3A_268 iter_args(%scan3A_282 = %broadcast_in_dim3A_264) -> (vector<16xf32>)  : i32 {
        %mul3A_283 = arith.constant 2 : i32
        %mul3A_284 = arith.muli %mul3A_283, %scan3A_281 : i32
        %broadcast_in_dim3A_285 = vector.broadcast %mul3A_284 : i32 to vector<16xi32>
        %add3A_286 = arith.constant 1 : i32
        %add3A_287 = vector.broadcast %add3A_286 : i32 to vector<16xi32>
        %add3A_288 = arith.addi %broadcast_in_dim3A_285, %add3A_287 : vector<16xi32>
        %gather3A_289 = tpu.vector_load_idx %arg14[%broadcast_in_dim3A_285, %min3A_254] : memref<64x256xf32, #tpu.memory_space<vmem>>[vector<16xi32>, vector<16xi32>], vector<16xf32>,
        %add3A_290 = arith.addi %mul3A_262, %broadcast_in_dim3A_285 : vector<16xi32>
        %gather3A_291 = tpu.vector_load_idx %arg15[%shift_right_arithmetic3A_256, %add3A_290] : memref<384x128xf32, #tpu.memory_space<vmem>>[vector<16xi32>, vector<16xi32>], vector<16xf32>,
        %sub3A_292 = arith.subf %gather3A_291, %gather3A_289 : vector<16xf32>
        %gather3A_293 = tpu.vector_load_idx %arg14[%add3A_288, %min3A_254] : memref<64x256xf32, #tpu.memory_space<vmem>>[vector<16xi32>, vector<16xi32>], vector<16xf32>,
        %add3A_294 = arith.addi %mul3A_262, %add3A_288 : vector<16xi32>
        %gather3A_295 = tpu.vector_load_idx %arg15[%shift_right_arithmetic3A_256, %add3A_294] : memref<384x128xf32, #tpu.memory_space<vmem>>[vector<16xi32>, vector<16xi32>], vector<16xf32>,
        %sub3A_296 = arith.subf %gather3A_295, %gather3A_293 : vector<16xf32>
        %mul3A_297 = arith.mulf %sub3A_292, %sub3A_292 : vector<16xf32>
        %add3A_298 = arith.addf %scan3A_282, %mul3A_297 : vector<16xf32>
        %mul3A_299 = arith.mulf %sub3A_296, %sub3A_296 : vector<16xf32>
        %add3A_300 = arith.addf %add3A_298, %mul3A_299 : vector<16xf32>
        scf.yield %add3A_300 : vector<16xf32>
      }
      %scan3A_270 = arith.constant 32 : i32
      %jit3A_271 = arith.constant 9.99999996E-13 : f32
      %jit3A_272 = arith.constant 9.99999995E+11 : f32
      %max3A_273 = vector.broadcast %jit3A_271 : f32 to vector<16xf32>
      %max3A_274 = arith.maximumf %max3A_273, %scan3A_269 : vector<16xf32>
      %min3A_275 = vector.broadcast %jit3A_272 : f32 to vector<16xf32>
      %min3A_276 = arith.minimumf %min3A_275, %max3A_274 : vector<16xf32>
      %jit3A_277 = arith.constant 0.000000e+00 : f32
      %broadcast_in_dim3A_278 = vector.broadcast %jit3A_277 : f32 to vector<16xf32>
      %select_n3A_279 = arith.select %lt3A_228, %min3A_276, %broadcast_in_dim3A_278 : vector<16xi1>, vector<16xf32>
      %add3A_280 = arith.addf %while3A_223, %select_n3A_279 : vector<16xf32>
      scf.yield %add3A_280 : vector<16xf32>
    }
    %get3A_174 = arith.constant 248 : i32
    %get3A_175 = arith.index_cast %get3A_174 : i32 to index
    %get3A_176 = memref.load %arg20[%get3A_175] : memref<256xi32, #tpu.memory_space<smem>>
    %get3A_177 = arith.constant 249 : i32
    %get3A_178 = arith.index_cast %get3A_177 : i32 to index
    %get3A_179 = memref.load %arg20[%get3A_178] : memref<256xi32, #tpu.memory_space<smem>>
    %select_n3A_180 = arith.select %eq3A_1, %get3A_179, %get3A_176 : i32
    %sub3A_181 = arith.subi %select_n3A_180, %get3A_176 : i32
    %add3A_182 = arith.constant 16 : i32
    %add3A_183 = arith.addi %sub3A_181, %add3A_182 : i32
    %sub3A_184 = arith.constant 1 : i32
    %sub3A_185 = arith.subi %add3A_183, %sub3A_184 : i32
    %jit3A_186 = arith.constant 16 : i32
    %div3A_187 = arith.divsi %sub3A_185, %jit3A_186 : i32
    %sign3A_188 = arith.constant 0 : i32
    %sign3A_189 = arith.cmpi sgt, %sub3A_185, %sign3A_188 : i32
    %sign3A_190 = arith.extui %sign3A_189 : i1 to i32
    %sign3A_191 = arith.constant 0 : i32
    %sign3A_192 = arith.cmpi slt, %sub3A_185, %sign3A_191 : i32
    %sign3A_193 = arith.extui %sign3A_192 : i1 to i32
    %sign3A_194 = arith.subi %sign3A_190, %sign3A_193 : i32
    %sign3A_195 = arith.constant 0 : i32
    %sign3A_196 = arith.cmpi sgt, %jit3A_186, %sign3A_195 : i32
    %sign3A_197 = arith.extui %sign3A_196 : i1 to i32
    %sign3A_198 = arith.constant 0 : i32
    %sign3A_199 = arith.cmpi slt, %jit3A_186, %sign3A_198 : i32
    %sign3A_200 = arith.extui %sign3A_199 : i1 to i32
    %sign3A_201 = arith.subi %sign3A_197, %sign3A_200 : i32
    %ne3A_202 = arith.cmpi ne, %sign3A_194, %sign3A_201 : i32
    %rem3A_203 = arith.remsi %sub3A_185, %jit3A_186 : i32
    %ne3A_204 = arith.constant 0 : i32
    %ne3A_205 = arith.cmpi ne, %rem3A_203, %ne3A_204 : i32
    %and3A_206 = arith.andi %ne3A_202, %ne3A_205 : i1
    %sub3A_207 = arith.constant 1 : i32
    %sub3A_208 = arith.subi %div3A_187, %sub3A_207 : i32
    %select_n3A_209 = arith.select %and3A_206, %sub3A_208, %div3A_187 : i32
    %while3A_210 = arith.constant 0 : i32
    %while3A_211 = arith.subi %select_n3A_209, %while3A_210 : i32
    %while3A_212 = arith.addi %while3A_210, %while3A_211 : i32
    %while3A_213 = arith.constant 1 : i32
    %while3A_214 = arith.divsi %while3A_211, %while3A_213 : i32
    %while3A_215 = arith.muli %while3A_214, %while3A_213 : i32
    %while3A_216 = arith.addi %while3A_210, %while3A_215 : i32
    %while3A_217 = arith.constant 1 : i32
    %while3A_218 = scf.for %while3A_222 = %while3A_210 to %while3A_216 step %while3A_217 iter_args(%while3A_223 = %while3A_173) -> (vector<16xf32>)  : i32 {
      %mul3A_224 = arith.constant 16 : i32
      %mul3A_225 = arith.muli %while3A_222, %mul3A_224 : i32
      %add3A_226 = arith.addi %get3A_176, %mul3A_225 : i32
      %sub3A_227 = arith.subi %select_n3A_180, %add3A_226 : i32
      %lt3A = vector.broadcast %sub3A_227 : i32 to vector<16xi32>
      %lt3A_228 = arith.cmpi slt, %iota3A, %lt3A : vector<16xi32>
      %add3A_229 = vector.broadcast %add3A_226 : i32 to vector<16xi32>
      %add3A_230 = arith.addi %iota3A, %add3A_229 : vector<16xi32>
      %jit3A_231 = arith.constant 0 : i32
      %jit3A_232 = arith.constant 767 : i32
      %max3A = vector.broadcast %jit3A_231 : i32 to vector<16xi32>
      %max3A_233 = arith.maxsi %max3A, %add3A_230 : vector<16xi32>
      %min3A_234 = vector.broadcast %jit3A_232 : i32 to vector<16xi32>
      %min3A_235 = arith.minsi %min3A_234, %max3A_233 : vector<16xi32>
      %add3A_236 = vector.broadcast %add3A_226 : i32 to vector<16xi32>
      %add3A_237 = arith.addi %iota3A, %add3A_236 : vector<16xi32>
      %jit3A_238 = arith.constant 0 : i32
      %jit3A_239 = arith.constant 4095 : i32
      %max3A_240 = vector.broadcast %jit3A_238 : i32 to vector<16xi32>
      %max3A_241 = arith.maxsi %max3A_240, %add3A_237 : vector<16xi32>
      %min3A_242 = vector.broadcast %jit3A_239 : i32 to vector<16xi32>
      %min3A_243 = arith.minsi %min3A_242, %max3A_241 : vector<16xi32>
      %gather3A = tpu.vector_load_idx %arg11[%min3A_243] : memref<4096xi32, #tpu.memory_space<vmem>>[vector<16xi32>], vector<16xi32>,
      %sub3A_244 = arith.constant 999936 : i32
      %sub3A_245 = vector.broadcast %sub3A_244 : i32 to vector<16xi32>
      %sub3A_246 = arith.subi %gather3A, %sub3A_245 : vector<16xi32>
      %jit3A_247 = arith.constant 0 : i32
      %broadcast_in_dim3A_248 = vector.broadcast %jit3A_247 : i32 to vector<16xi32>
      %select_n3A_249 = arith.select %lt3A_228, %sub3A_246, %broadcast_in_dim3A_248 : vector<16xi1>, vector<16xi32>
      %jit3A_250 = arith.constant 0 : i32
      %jit3A_251 = arith.constant 63 : i32
      %max3A_252 = vector.broadcast %jit3A_250 : i32 to vector<16xi32>
      %max3A_253 = arith.maxsi %max3A_252, %select_n3A_249 : vector<16xi32>
      %min3A_254 = vector.broadcast %jit3A_251 : i32 to vector<16xi32>
      %min3A_255 = arith.minsi %min3A_254, %max3A_253 : vector<16xi32>
      %shift_right_arithmetic3A = arith.constant 1 : i32
      %shift_right_arithmetic3A_256 = vector.broadcast %shift_right_arithmetic3A : i32 to vector<16xi32>
      %shift_right_arithmetic3A_257 = arith.shrsi %min3A_235, %shift_right_arithmetic3A_256 : vector<16xi32>
      %and3A_258 = arith.constant 1 : i32
      %and3A_259 = vector.broadcast %and3A_258 : i32 to vector<16xi32>
      %and3A_260 = arith.andi %min3A_235, %and3A_259 : vector<16xi32>
      %mul3A_261 = arith.constant 64 : i32
      %mul3A_262 = vector.broadcast %mul3A_261 : i32 to vector<16xi32>
      %mul3A_263 = arith.muli %and3A_260, %mul3A_262 : vector<16xi32>
      %broadcast_in_dim3A_264 = arith.constant 0.000000e+00 : f32
      %broadcast_in_dim3A_265 = vector.broadcast %broadcast_in_dim3A_264 : f32 to vector<16xf32>
      %scan3A_266 = arith.constant 0 : i32
      %scan3A_267 = arith.constant 32 : i32
      %scan3A_268 = arith.addi %scan3A_266, %scan3A_267 : i32
      %scan3A_269 = arith.constant 1 : i32
      %scan3A_270 = scf.for %scan3A_282 = %scan3A_266 to %scan3A_268 step %scan3A_269 iter_args(%scan3A_283 = %broadcast_in_dim3A_265) -> (vector<16xf32>)  : i32 {
        %mul3A_284 = arith.constant 2 : i32
        %mul3A_285 = arith.muli %mul3A_284, %scan3A_282 : i32
        %broadcast_in_dim3A_286 = vector.broadcast %mul3A_285 : i32 to vector<16xi32>
        %add3A_287 = arith.constant 1 : i32
        %add3A_288 = vector.broadcast %add3A_287 : i32 to vector<16xi32>
        %add3A_289 = arith.addi %broadcast_in_dim3A_286, %add3A_288 : vector<16xi32>
        %gather3A_290 = tpu.vector_load_idx %arg16[%broadcast_in_dim3A_286, %min3A_255] : memref<64x64xf32, #tpu.memory_space<vmem>>[vector<16xi32>, vector<16xi32>], vector<16xf32>,
        %add3A_291 = arith.addi %mul3A_263, %broadcast_in_dim3A_286 : vector<16xi32>
        %gather3A_292 = tpu.vector_load_idx %arg15[%shift_right_arithmetic3A_257, %add3A_291] : memref<384x128xf32, #tpu.memory_space<vmem>>[vector<16xi32>, vector<16xi32>], vector<16xf32>,
        %sub3A_293 = arith.subf %gather3A_292, %gather3A_290 : vector<16xf32>
        %gather3A_294 = tpu.vector_load_idx %arg16[%add3A_289, %min3A_255] : memref<64x64xf32, #tpu.memory_space<vmem>>[vector<16xi32>, vector<16xi32>], vector<16xf32>,
        %add3A_295 = arith.addi %mul3A_263, %add3A_289 : vector<16xi32>
        %gather3A_296 = tpu.vector_load_idx %arg15[%shift_right_arithmetic3A_257, %add3A_295] : memref<384x128xf32, #tpu.memory_space<vmem>>[vector<16xi32>, vector<16xi32>], vector<16xf32>,
        %sub3A_297 = arith.subf %gather3A_296, %gather3A_294 : vector<16xf32>
        %mul3A_298 = arith.mulf %sub3A_293, %sub3A_293 : vector<16xf32>
        %add3A_299 = arith.addf %scan3A_283, %mul3A_298 : vector<16xf32>
        %mul3A_300 = arith.mulf %sub3A_297, %sub3A_297 : vector<16xf32>
        %add3A_301 = arith.addf %add3A_299, %mul3A_300 : vector<16xf32>
        scf.yield %add3A_301 : vector<16xf32>
      }
      %scan3A_271 = arith.constant 32 : i32
      %jit3A_272 = arith.constant 9.99999996E-13 : f32
      %jit3A_273 = arith.constant 9.99999995E+11 : f32
      %max3A_274 = vector.broadcast %jit3A_272 : f32 to vector<16xf32>
      %max3A_275 = arith.maximumf %max3A_274, %scan3A_270 : vector<16xf32>
      %min3A_276 = vector.broadcast %jit3A_273 : f32 to vector<16xf32>
      %min3A_277 = arith.minimumf %min3A_276, %max3A_275 : vector<16xf32>
      %jit3A_278 = arith.constant 0.000000e+00 : f32
      %broadcast_in_dim3A_279 = vector.broadcast %jit3A_278 : f32 to vector<16xf32>
      %select_n3A_280 = arith.select %lt3A_228, %min3A_277, %broadcast_in_dim3A_279 : vector<16xi1>, vector<16xf32>
      %add3A_281 = arith.addf %while3A_223, %select_n3A_280 : vector<16xf32>
      scf.yield %add3A_281 : vector<16xf32>
    }
    %while3A_219 = arith.constant 1 : i32
    %while3A_220 = scf.for %while3A_222 = %while3A_216 to %while3A_212 step %while3A_219 iter_args(%while3A_223 = %while3A_218) -> (vector<16xf32>)  : i32 {
      %mul3A_224 = arith.constant 16 : i32
      %mul3A_225 = arith.muli %while3A_222, %mul3A_224 : i32
      %add3A_226 = arith.addi %get3A_176, %mul3A_225 : i32
      %sub3A_227 = arith.subi %select_n3A_180, %add3A_226 : i32
      %lt3A = vector.broadcast %sub3A_227 : i32 to vector<16xi32>
      %lt3A_228 = arith.cmpi slt, %iota3A, %lt3A : vector<16xi32>
      %add3A_229 = vector.broadcast %add3A_226 : i32 to vector<16xi32>
      %add3A_230 = arith.addi %iota3A, %add3A_229 : vector<16xi32>
      %jit3A_231 = arith.constant 0 : i32
      %jit3A_232 = arith.constant 767 : i32
      %max3A = vector.broadcast %jit3A_231 : i32 to vector<16xi32>
      %max3A_233 = arith.maxsi %max3A, %add3A_230 : vector<16xi32>
      %min3A_234 = vector.broadcast %jit3A_232 : i32 to vector<16xi32>
      %min3A_235 = arith.minsi %min3A_234, %max3A_233 : vector<16xi32>
      %add3A_236 = vector.broadcast %add3A_226 : i32 to vector<16xi32>
      %add3A_237 = arith.addi %iota3A, %add3A_236 : vector<16xi32>
      %jit3A_238 = arith.constant 0 : i32
      %jit3A_239 = arith.constant 4095 : i32
      %max3A_240 = vector.broadcast %jit3A_238 : i32 to vector<16xi32>
      %max3A_241 = arith.maxsi %max3A_240, %add3A_237 : vector<16xi32>
      %min3A_242 = vector.broadcast %jit3A_239 : i32 to vector<16xi32>
      %min3A_243 = arith.minsi %min3A_242, %max3A_241 : vector<16xi32>
      %gather3A = tpu.vector_load_idx %arg11[%min3A_243] : memref<4096xi32, #tpu.memory_space<vmem>>[vector<16xi32>], vector<16xi32>,
      %sub3A_244 = arith.constant 999936 : i32
      %sub3A_245 = vector.broadcast %sub3A_244 : i32 to vector<16xi32>
      %sub3A_246 = arith.subi %gather3A, %sub3A_245 : vector<16xi32>
      %jit3A_247 = arith.constant 0 : i32
      %broadcast_in_dim3A_248 = vector.broadcast %jit3A_247 : i32 to vector<16xi32>
      %select_n3A_249 = arith.select %lt3A_228, %sub3A_246, %broadcast_in_dim3A_248 : vector<16xi1>, vector<16xi32>
      %jit3A_250 = arith.constant 0 : i32
      %jit3A_251 = arith.constant 63 : i32
      %max3A_252 = vector.broadcast %jit3A_250 : i32 to vector<16xi32>
      %max3A_253 = arith.maxsi %max3A_252, %select_n3A_249 : vector<16xi32>
      %min3A_254 = vector.broadcast %jit3A_251 : i32 to vector<16xi32>
      %min3A_255 = arith.minsi %min3A_254, %max3A_253 : vector<16xi32>
      %shift_right_arithmetic3A = arith.constant 1 : i32
      %shift_right_arithmetic3A_256 = vector.broadcast %shift_right_arithmetic3A : i32 to vector<16xi32>
      %shift_right_arithmetic3A_257 = arith.shrsi %min3A_235, %shift_right_arithmetic3A_256 : vector<16xi32>
      %and3A_258 = arith.constant 1 : i32
      %and3A_259 = vector.broadcast %and3A_258 : i32 to vector<16xi32>
      %and3A_260 = arith.andi %min3A_235, %and3A_259 : vector<16xi32>
      %mul3A_261 = arith.constant 64 : i32
      %mul3A_262 = vector.broadcast %mul3A_261 : i32 to vector<16xi32>
      %mul3A_263 = arith.muli %and3A_260, %mul3A_262 : vector<16xi32>
      %broadcast_in_dim3A_264 = arith.constant 0.000000e+00 : f32
      %broadcast_in_dim3A_265 = vector.broadcast %broadcast_in_dim3A_264 : f32 to vector<16xf32>
      %scan3A_266 = arith.constant 0 : i32
      %scan3A_267 = arith.constant 32 : i32
      %scan3A_268 = arith.addi %scan3A_266, %scan3A_267 : i32
      %scan3A_269 = arith.constant 1 : i32
      %scan3A_270 = scf.for %scan3A_282 = %scan3A_266 to %scan3A_268 step %scan3A_269 iter_args(%scan3A_283 = %broadcast_in_dim3A_265) -> (vector<16xf32>)  : i32 {
        %mul3A_284 = arith.constant 2 : i32
        %mul3A_285 = arith.muli %mul3A_284, %scan3A_282 : i32
        %broadcast_in_dim3A_286 = vector.broadcast %mul3A_285 : i32 to vector<16xi32>
        %add3A_287 = arith.constant 1 : i32
        %add3A_288 = vector.broadcast %add3A_287 : i32 to vector<16xi32>
        %add3A_289 = arith.addi %broadcast_in_dim3A_286, %add3A_288 : vector<16xi32>
        %gather3A_290 = tpu.vector_load_idx %arg16[%broadcast_in_dim3A_286, %min3A_255] : memref<64x64xf32, #tpu.memory_space<vmem>>[vector<16xi32>, vector<16xi32>], vector<16xf32>,
        %add3A_291 = arith.addi %mul3A_263, %broadcast_in_dim3A_286 : vector<16xi32>
        %gather3A_292 = tpu.vector_load_idx %arg15[%shift_right_arithmetic3A_257, %add3A_291] : memref<384x128xf32, #tpu.memory_space<vmem>>[vector<16xi32>, vector<16xi32>], vector<16xf32>,
        %sub3A_293 = arith.subf %gather3A_292, %gather3A_290 : vector<16xf32>
        %gather3A_294 = tpu.vector_load_idx %arg16[%add3A_289, %min3A_255] : memref<64x64xf32, #tpu.memory_space<vmem>>[vector<16xi32>, vector<16xi32>], vector<16xf32>,
        %add3A_295 = arith.addi %mul3A_263, %add3A_289 : vector<16xi32>
        %gather3A_296 = tpu.vector_load_idx %arg15[%shift_right_arithmetic3A_257, %add3A_295] : memref<384x128xf32, #tpu.memory_space<vmem>>[vector<16xi32>, vector<16xi32>], vector<16xf32>,
        %sub3A_297 = arith.subf %gather3A_296, %gather3A_294 : vector<16xf32>
        %mul3A_298 = arith.mulf %sub3A_293, %sub3A_293 : vector<16xf32>
        %add3A_299 = arith.addf %scan3A_283, %mul3A_298 : vector<16xf32>
        %mul3A_300 = arith.mulf %sub3A_297, %sub3A_297 : vector<16xf32>
        %add3A_301 = arith.addf %add3A_299, %mul3A_300 : vector<16xf32>
        scf.yield %add3A_301 : vector<16xf32>
      }
      %scan3A_271 = arith.constant 32 : i32
      %jit3A_272 = arith.constant 9.99999996E-13 : f32
      %jit3A_273 = arith.constant 9.99999995E+11 : f32
      %max3A_274 = vector.broadcast %jit3A_272 : f32 to vector<16xf32>
      %max3A_275 = arith.maximumf %max3A_274, %scan3A_270 : vector<16xf32>
      %min3A_276 = vector.broadcast %jit3A_273 : f32 to vector<16xf32>
      %min3A_277 = arith.minimumf %min3A_276, %max3A_275 : vector<16xf32>
      %jit3A_278 = arith.constant 0.000000e+00 : f32
      %broadcast_in_dim3A_279 = vector.broadcast %jit3A_278 : f32 to vector<16xf32>
      %select_n3A_280 = arith.select %lt3A_228, %min3A_277, %broadcast_in_dim3A_279 : vector<16xi1>, vector<16xf32>
      %add3A_281 = arith.addf %while3A_223, %select_n3A_280 : vector<16xf32>
      scf.yield %add3A_281 : vector<16xf32>
    }
    %swap3A = arith.constant 0 : index
    %swap3A_221 = tpu.vector_load %arg17[%swap3A] {strides = array<i32>} : memref<16xf32, #tpu.memory_space<vmem>>, vector<16xf32>,
    tpu.vector_store %arg17[%swap3A], %while3A_220 {strides = array<i32>} : memref<16xf32, #tpu.memory_space<vmem>>, vector<16xf32>,
    "tpu.region"() ({
      %run_scoped3A = tpu.sem_alloc : memref<!tpu.dma_semaphore, #tpu.memory_space<semaphore_mem>>
      %dma_start3A_222 = arith.constant 0 : i32
      %dma_start3A_223 = tpu.memref_slice %arg6[%add3A, %dma_start3A_222] : memref<32x16xf32, #tpu.memory_space<hbm>> -> memref<1x16xf32, #tpu.memory_space<hbm>>
      %dma_start3A_224 = tpu.memref_squeeze %dma_start3A_223 : memref<1x16xf32, #tpu.memory_space<hbm>> -> memref<16xf32, #tpu.memory_space<hbm>>
      %dma_start3A_225 = arith.constant 0 : i32
      %dma_start3A_226 = tpu.memref_slice %arg6[%add3A, %dma_start3A_225] : memref<32x16xf32, #tpu.memory_space<hbm>> -> memref<1x16xf32, #tpu.memory_space<hbm>>
      %dma_start3A_227 = tpu.memref_squeeze %dma_start3A_226 : memref<1x16xf32, #tpu.memory_space<hbm>> -> memref<16xf32, #tpu.memory_space<hbm>>
      tpu.enqueue_dma source(%arg17 : memref<16xf32, #tpu.memory_space<vmem>>) target(%dma_start3A_227 : memref<16xf32, #tpu.memory_space<hbm>>) target_semaphore(%run_scoped3A : memref<!tpu.dma_semaphore, #tpu.memory_space<semaphore_mem>>)
      %dma_wait3A_228 = arith.constant 0 : i32
      %dma_wait3A_229 = tpu.memref_slice %arg6[%add3A, %dma_wait3A_228] : memref<32x16xf32, #tpu.memory_space<hbm>> -> memref<1x16xf32, #tpu.memory_space<hbm>>
      %dma_wait3A_230 = tpu.memref_squeeze %dma_wait3A_229 : memref<1x16xf32, #tpu.memory_space<hbm>> -> memref<16xf32, #tpu.memory_space<hbm>>
      %dma_wait3A_231 = arith.constant 0 : i32
      %dma_wait3A_232 = tpu.memref_slice %arg6[%add3A, %dma_wait3A_231] : memref<32x16xf32, #tpu.memory_space<hbm>> -> memref<1x16xf32, #tpu.memory_space<hbm>>
      %dma_wait3A_233 = tpu.memref_squeeze %dma_wait3A_232 : memref<1x16xf32, #tpu.memory_space<hbm>> -> memref<16xf32, #tpu.memory_space<hbm>>
      tpu.wait_dma2 semaphore(%run_scoped3A : memref<!tpu.dma_semaphore, #tpu.memory_space<semaphore_mem>>) src(%arg17 : memref<16xf32, #tpu.memory_space<vmem>>) dst(%dma_wait3A_233 : memref<16xf32, #tpu.memory_space<hbm>>)
      tpu.yield
    }) : () -> ()
    return
  }
}

module attributes {stable_mosaic.version = 14 : i64} {
  func.func @tc_reduce(%arg0: memref<32x16xf32, #tpu.memory_space<vmem>>, %arg1: memref<1x1xf32, #tpu.memory_space<vmem>>) attributes {dimension_semantics = [], scalar_prefetch = 0 : i64, scratch_operands = 0 : i64, tpu.core_type = #tpu.core_type<tc>} {
    %get3A = arith.constant 0 : index
    %get3A_0 = arith.constant 0 : index
    %get3A_1 = vector.load %arg0[%get3A, %get3A_0] : memref<32x16xf32, #tpu.memory_space<vmem>>, vector<32x16xf32>
    %reduce_sum3A = vector.shape_cast %get3A_1 : vector<32x16xf32> to vector<1x32x16xf32>
    %reduce_sum3A_2 = arith.constant dense<0.000000e+00> : vector<1xf32>
    %reduce_sum3A_3 = vector.multi_reduction <add>, %reduce_sum3A, %reduce_sum3A_2 [1, 2] : vector<1x32x16xf32> to vector<1xf32>
    %reduce_sum3A_4 = vector.shape_cast %reduce_sum3A_3 : vector<1xf32> to vector<1x1x1xf32>
    %reduce_sum3A_5 = vector.extract %reduce_sum3A_4[0, 0, 0] : f32 from vector<1x1x1xf32>
    %mul3A = arith.constant 5.000000e-01 : f32
    %mul3A_6 = arith.mulf %mul3A, %reduce_sum3A_5 : f32
    %mul3A_7 = arith.constant 6.10351563E-5 : f32
    %mul3A_8 = arith.mulf %mul3A_6, %mul3A_7 : f32
    %broadcast_in_dim3A = vector.broadcast %mul3A_8 : f32 to vector<1x1xf32>
    %swap3A = arith.constant 0 : index
    %swap3A_9 = arith.constant 0 : index
    %swap3A_10 = vector.load %arg1[%swap3A, %swap3A_9] : memref<1x1xf32, #tpu.memory_space<vmem>>, vector<1x1xf32>
    tpu.vector_store %arg1[%swap3A, %swap3A_9], %broadcast_in_dim3A {strides = array<i32>} : memref<1x1xf32, #tpu.memory_space<vmem>>, vector<1x1xf32>,
    return
  }
}

</mosaic_0001>

<sc_bundles>
// kernel: kernel.4.cloned.1.call-start
scs
__scs_entry_jumppad:
0x0: {  	(pc) =	sbr.rel $0x88, $3  }
0x1: {  	(tag) =	ssettag $0x0;
	lr =	simm.s32 $0x1  }
0x2: {  	[smem:$0x3F9E] =	sst lr;
	_ =	strace $0xD0000000  }
0x3: {  	_ = 	snop  }
0x4: {  	_ = 	snop  }
0x5: {  	_ = 	snop  }
0x6: {  	_ = 	snop  }
0x7: {  	_ = 	snop  }
__scs_overlays_trampoline_lowered:
0x8: {  	[smem:$0x3FAD] =	sst s0  }
0x9: {  	[smem:$0x3FAE] =	sst s1  }
0xa: {  	[smem:$0x3FAF] =	sst s2  }
0xb: {  	[smem:$0x3FB0] =	sst s3  }
0xc: {  	[smem:$0x3FB1] =	sst s4  }
0xd: {  	[smem:$0x3FB2] =	sst s5  }
0xe: {  	[smem:$0x3FB3] =	sst s6  }
0xf: {  	[smem:$0x3FB4] =	sst s7  }
0x10: {  	[smem:$0x3FB5] =	sst s8  }
0x11: {  	[smem:$0x3FB6] =	sst s9;
	s0 =	simm.s32 @!p0 $0x0  }
0x12: {  	s1 =	sld [smem:$0x3F9C];
	s0 =	simm.s32 @p0 $0x1  }
0x13: {  	[smem:$0x3FB7] =	sst s0;
	s0 =	simm.s32 @!p1 $0x0  }
0x14: {  	s2 =	sld [smem:$0x3F9B];
	s0 =	simm.s32 @p1 $0x1  }
0x15: {  	[smem:$0x3FB8] =	sst s0;
	s0 =	simm.s32 @!p2 $0x0  }
0x16: {  	s3 =	sld [smem:$0x3FDB];
	s0 =	simm.s32 @p2 $0x1  }
0x17: {  	s4 =	simm.s32 $0x1BF5;
	[smem:$0x3FBA] =	sst s0  }
0x18: {  	s0 =	sld [smem:$0x3F9D];
	_ =	swait.ge [sflag:s4], $0x0  }
0x19: {  	s7 =	sld [smem:$0x3F9E]  }
0x1a: {  	s8 =	sadd.s32 $0xFFFFE003, lr  }
0x1b: {  	s9 =	sadd.s32 $0xFFFFFEF7, lr;
	s5 =	simm.s32 $0xFFFFFFFF;
	p2 =	slt.u32 s8, $0xFFFFF086  }
0x1c: {  	p1 =	slt.u32 s9, $0xF7A;
	s5 =	simm.s32 @!p2 $0x0  }
0x1d: {  	s5 =	simm.s32 @p1 $0x1;
	p0 =	seq.s32 s7, s2  }
0x1e: {  	s7 =	smul.u32 @!p0 $0xF7A, s2;
	p2 =	seq.s32 @!p0 s5, $0x0  }
0x1f: {  	s9 =	smul.u32 $0xF7A, s1;
	s8 =	simm.s32 @!p0 $0x1BF5;
	p2 =	por !p2, p0  }
0x20: {  	[sflag:s8] =	ssyncset.s32 @!p0 $0xFFFFF086;
	s6 =	sadd.s32 @!p0 s3, s7;
	s7 =	simm.s32 @!p0 $0x108  }
0x21: {  	s3 =	sadd.s32 s3, s9;
	s6 =	sadd.s32 @!p0 $0x88, s6;
	s7 =	simm.s32 @p2 $0x1082  }
0x22: {  	[simem:s7], [sflag:s8] =	dma.local @!p0 [hbm:s6], $0xF7A  }
0x23: {  	s9 =	sor.u32 $0xD0000000, s2;
	s6 =	simm.s32 $0x108;
	_ =	swait.ge @!p0 [sflag:s8], $0x0  }
0x24: {  	s3 =	sadd.s32 $0x88, s3;
	s6 =	simm.s32 @!p1 $0x1082;
	[sflag:s4] =	ssyncset.s32 $0xFFFFF086  }
0x25: {  	[simem:s6], [sflag:s4] =	dma.local [hbm:s3], $0xF7A  }
0x26: {  	[smem:$0x3F9E] =	sst s1;
	(tag) =	ssettag s2;
	_ =	strace s9  }
0x27: {  	s1 =	sld [smem:$0x3FAE]  }
0x28: {  	s2 =	sld [smem:$0x3FAF]  }
0x29: {  	s4 =	sld [smem:$0x3FB1]  }
0x2a: {  	p0 =	seq.s32 s5, $0x0;
	s5 =	sld [smem:$0x3FB2]  }
0x2b: {  	s6 =	sld [smem:$0x3FB3]  }
0x2c: {  	s7 =	sld [smem:$0x3FB4]  }
0x2d: {  	s3 =	simm.s32 $0x108;
	s8 =	sld [smem:$0x3FB5]  }
0x2e: {  	s3 =	simm.s32 @!p0 $0x1082;
	s9 =	sld [smem:$0x3FB6]  }
0x2f: {  	lr =	sadd.s32 s0, s3;
	s0 =	sld [smem:$0x3FAD]  }
0x30: {  	s3 =	sld [smem:$0x3FB0]  }
0x31: {  	[smem:$0x3FB9] =	sst s10  }
0x32: {  	s10 =	sld [smem:$0x3FB7];
	_ =	sdelay $0x3  }
0x33: {  	p0 =	seq.s32 s10, $0x1;
	s10 =	sld [smem:$0x3FB9];
	_ =	sdelay $0x3  }
0x34: {  	[smem:$0x3FB9] =	sst s10  }
0x35: {  	s10 =	sld [smem:$0x3FB8];
	_ =	sdelay $0x3  }
0x36: {  	p1 =	seq.s32 s10, $0x1;
	s10 =	sld [smem:$0x3FB9];
	_ =	sdelay $0x3  }
0x37: {  	[smem:$0x3FB9] =	sst s10  }
0x38: {  	s10 =	sld [smem:$0x3FBA]  }
0x39: {  	_ = 	snop;
	(pc) =	sbr.ind lr, $3  }
0x3a: {  	_ = 	snop  }
0x3b: {  	_ = 	snop  }
0x3c: {  	p2 =	seq.s32 s10, $0x1;
	s10 =	sld [smem:$0x3FB9]  }
0x3d: {  	_ =	shalt  }
0x3e: {  	_ =	shalt  }
0x3f: {  	_ =	shalt  }
0x40: {  	_ =	shalt  }
0x41: {  	_ =	shalt  }
0x42: {  	_ =	shalt  }
0x43: {  	_ =	shalt  }
0x44: {  	_ =	shalt  }
0x45: {  	_ =	shalt  }
0x46: {  	_ =	shalt  }
0x47: {  	_ =	shalt  }
0x48: {  	_ =	shalt  }
0x49: {  	_ =	shalt  }
0x4a: {  	_ =	shalt  }
0x4b: {  	_ =	shalt  }
0x4c: {  	_ =	shalt  }
0x4d: {  	_ =	shalt  }
0x4e: {  	_ =	shalt  }
0x4f: {  	_ =	shalt  }
0x50: {  	_ =	shalt  }
0x51: {  	_ =	shalt  }
0x52: {  	_ =	shalt  }
0x53: {  	_ =	shalt  }
0x54: {  	_ =	shalt  }
0x55: {  	_ =	shalt  }
0x56: {  	_ =	shalt  }
0x57: {  	_ =	shalt  }
0x58: {  	_ =	shalt  }
0x59: {  	_ =	shalt  }
0x5a: {  	_ =	shalt  }
0x5b: {  	_ =	shalt  }
0x5c: {  	_ =	shalt  }
0x5d: {  	_ =	shalt  }
0x5e: {  	_ =	shalt  }
0x5f: {  	_ =	shalt  }
0x60: {  	_ =	shalt  }
0x61: {  	_ =	shalt  }
0x62: {  	_ =	shalt  }
0x63: {  	_ =	shalt  }
0x64: {  	_ =	shalt  }
0x65: {  	_ =	shalt  }
0x66: {  	_ =	shalt  }
0x67: {  	_ =	shalt  }
0x68: {  	_ =	shalt  }
0x69: {  	_ =	shalt  }
0x6a: {  	_ =	shalt  }
0x6b: {  	_ =	shalt  }
0x6c: {  	_ =	shalt  }
0x6d: {  	_ =	shalt  }
0x6e: {  	_ =	shalt  }
0x6f: {  	_ =	shalt  }
0x70: {  	_ =	shalt  }
0x71: {  	_ =	shalt  }
0x72: {  	_ =	shalt  }
0x73: {  	_ =	shalt  }
0x74: {  	_ =	shalt  }
0x75: {  	_ =	shalt  }
0x76: {  	_ =	shalt  }
0x77: {  	_ =	shalt  }
0x78: {  	_ =	shalt  }
0x79: {  	_ =	shalt  }
0x7a: {  	_ =	shalt  }
0x7b: {  	_ =	shalt  }
0x7c: {  	_ =	shalt  }
0x7d: {  	_ =	shalt  }
0x7e: {  	_ =	shalt  }
0x7f: {  	_ =	shalt  }
0x80: {  	_ =	shalt  }
0x81: {  	_ =	shalt  }
0x82: {  	_ =	shalt  }
0x83: {  	_ =	shalt  }
0x84: {  	_ =	shalt  }
0x85: {  	_ =	shalt  }
0x86: {  	_ =	shalt  }
0x87: {  	_ =	shalt  }
.Lfunc_end0:
.L_simem_size_0:
called_computation_lowered:
.L_overlay_start_0:
0x88: {  	s2 =	sld [smem:$0x3FD9]  }
0x89: {  	s3 =	sld [smem:$0x3FFE];
	_ =	sdelay $0x1  }
0x8a: {  	s1 =	srdreg.scid  }
0x8b: {  	s0 =	sand.u32 $0x1, s1  }
0x8c: {  	s17 =	sshll.u32 s0, $0xA;
	s2 =	sadd.s32 s3, s2  }
0x8d: {  	s2 =	sadd.s32 s2, s17  }
0x8e: {  	[smem:$0x3FC5] =	sst s2  }
0x8f: {  	_ = 	snop  }
0x90: {  	s2 =	sld [smem:$0x3FC8]  }
0x91: {  	s18 =	sld [smem:$0x3FC7];
	(tm) =	ssettm $0x1  }
0x92: {  	s4 =	sld [smem:$0x3FFB];
	_ =	sdelay $0x3  }
0x93: {  	_ =	strace s4  }
0x94: {  	s4 =	sld [smem:$0x3FFC];
	_ =	sdelay $0x3  }
0x95: {  	_ =	strace s4  }
0x96: {  	s4 =	sld [smem:$0x3FFD];
	_ =	sdelay $0x3  }
0x97: {  	_ =	strace s4  }
0x98: {  	_ =	strace $0x8FFFFFFF  }
0x99: {  	s19 =	sld [smem:$0x3FDB];
	_ =	sdelay $0x1  }
0x9a: {  	s5 =	simm.s32 $_scs_section_size  }
0x9b: {  	s6 =	simm.s32 $_size__tile_overlayer_lowered;
	s7 =	simm.s32 $_tile_overlayer_lowered  }
0x9c: {  	s22 =	simm.s32 $0x1BFF;
	s21 =	sshll.u32 s7, $0x1;
	s4 =	sadd.s32 s5, s19  }
0x9d: {  	s8 =	simm.s32 $0x0;
	s20 =	sshll.u32 s6, $0x1;
	s6 =	sadd.s32 s21, s4  }
0x9e: {  	[timem:s8], [sflag:s22] =	dma.local [hbm:s6], s20  }
0x9f: {  	_ =	swait.ge [sflag:s22], s20  }
0xa0: {  	s5 =	ssub.s32 $0x0, s20;
	[sflag:s22] =	ssyncset.done $0x0  }
0xa1: {  	[sflag:s22] =	ssyncadd.s32 s5;
	_ =	sdelay $0x1  }
0xa2: {  	s23 =	simm.s32 $0x1B8B  }
0xa3: {  	_ =	swait.ge [sflag:s23], $0x1  }
0xa4: {  	[sflag:s23] =	ssyncset.done $0x0  }
0xa5: {  	s25 =	simm.s32 $0x1B8E;
	s24 =	sld [smem:$0x3FFE];
	[sflag:s23] =	ssyncadd.s32 $0xFFFFFFFF  }
0xa6: {  	s26 =	simm.s32 $execute0_lowered;
	[smem:$0x3FD2] =	sst s25  }
0xa7: {  	s6 =	sshll.u32 s26, $0x1;
	_ =	strace $0x80000046;
	[dreg:$0x1] =	wrdreg $0xFFFFFFFF  }
0xa8: {  	s28 =	simm.s32 $_size_execute0_lowered;
	s4 =	sadd.s32 s4, s6;
	[dreg:$0x0] =	wrdreg $0x0  }
0xa9: {  	s6 =	sshll.u32 s28, $0x1;
	[dreg:$0x2] =	wrdreg s4  }
0xaa: {  	[dreg:$0x3] =	wrdreg s6  }
0xab: {  	[dreg:$0x4] =	wrdreg $0xC0  }
0xac: {  	_ =	task [dreg:s8], $0x5FFFF  }
0xad: {  	[dreg:$0x1] =	wrdreg $0xFFFFFFFF  }
0xae: {  	[dreg:$0x0] =	wrdreg $0x60  }
0xaf: {  	[dreg:$0x2] =	wrdreg s24  }
0xb0: {  	[dreg:$0x3] =	wrdreg s2  }
0xb1: {  	[dreg:$0x4] =	wrdreg s18  }
0xb2: {  	[dreg:$0x5] =	wrdreg $0x1C3800  }
0xb3: {  	[dreg:$0x6] =	wrdreg $0x1C4800  }
0xb4: {  	[dreg:$0x7] =	wrdreg $0x9  }
0xb5: {  	_ =	task.clear_ibuf [dreg:s8], $0x8FFFF;
	_ =	strace $0x90000046  }
0xb6: {  	s29 =	simm.s32 $0x9;
	_ =	strace $0x80000048  }
0xb7: {  	_ =	swait.ge [sflag:s29], $0x1  }
0xb8: {  	[sflag:s29] =	ssyncadd.s32 $0xFFFFFFFF  }
0xb9: {  	_ =	strace $0x90000048  }
0xba: {  	_ =	sfence  }
0xbb: {  	s30 =	sld [smem:$0x0];
	_ =	sdelay $0x2  }
0xbc: {  	s31 =	sshll.u32 s1, $0xD;
	s1 =	sshrl.u32 s1, $0x2  }
0xbd: {  	s3 =	sand.u32 $0x4000, s31;
	s1 =	sadd.s32 s1, s30  }
0xbe: {  	s0 =	sor.u32 s3, s0;
	s1 =	sshll.u32 s1, $0x11  }
0xbf: {  	s0 =	sor.u32 s1, s0  }
0xc0: {  	s0 =	sadd.s32 $0x8F2B, s0  }
0xc1: {  	[sflag:s0] =	ssyncadd.remote.s32 $0x1  }
0xc2: {  	_ =	sfence.sel $0xFFFF  }
0xc3: {  	[dreg:$0x0] =	wrdreg $0xFFFFFFFF;
	(pc) =	sbr.abs _section_cstart, $3  }
0xc4: {  	[dreg:$0x1] =	wrdreg $0xFFFFFFFF  }
0xc5: {  	_ =	task.clear_ibuf [dreg:s8], $0x2FFFF;
	_ =	strace $0x9FFFFFFF  }
0xc6: {  	(tm) =	ssettm $0x7FFFFFFF  }
0xc7: {  	_ =	shalt  }
tec
execute0_lowered:
.L_overlay_start_1:
0x0: {  	(tag) =	ssettag $0x1  }
0x1: {  	s0 =	rddreg [dreg:$0x0]  }
0x2: {  	s2 =	rddreg [dreg:$0x2]  }
0x3: {  	s1 =	rddreg [dreg:$0x3]  }
0x4: {  	s3 =	rddreg [dreg:$0x4];
	s16 =	simm.s32 $0x0  }
0x5: {  	s4 =	srdreg.scid;
	s11 =	stileid.u32;
	s28 =	simm.s32 $0x4100  }
0x6: {  	s29 =	simm.s32 $0x4300;
	s30 =	simm.s32 $0x5300;
	[smem:$0x7FF] =	sst s16  }
0x7: {  	s4 =	sand.u32 $0x1, s4;
	s6 =	sshll.u32 s11, $0x1;
	s5 =	sadd.s32 $0xA00, s0  }
0x8: {  	s7 =	sadd.s32 $0x600, s0;
	s10 =	sshll.u32 s11, $0xA;
	s26 =	sshll.u32 s11, $0x7  }
0x9: {  	_ =	strace $0x80000047;
	s6 =	sor.u32 s4, s6;
	[dreg:$0x6] =	wrdreg s7  }
0xa: {  	s4 =	ssub.s32 $0x2, s4;
	s25 =	sand.u32 $0x2000, s10;
	s13 =	sand.u32 $0x380, s26  }
0xb: {  	s8 =	sshll.u32 s6, $0x4;
	s9 =	sshrl.u32 s4, $0x1;
	s7 =	smul.u32 $0x7A00, s6  }
0xc: {  	s31 =	sshrl.u32 s25, $0x2;
	p0 =	seq.s32 s6, $0x1F;
	s14 =	sadd.s32 s25, s3  }
0xd: {  	s11 =	smul.u32 $0x3D000, s6;
	s3 =	simm.s32 $0x800;
	s6 =	simm.s32 $0x6300  }
0xe: {  	s0 =	sadd.s32 s8, s0;
	s4 =	ssub.s32 s4, s9;
	s15 =	sadd.s32 s2, s7  }
0xf: {  	s1 =	sadd.s32 s31, s1;
	s0 =	sadd.s32 $0x40A00, s0;
	[dreg:$0x8] =	wrdreg s15  }
0x10: {  	s9 =	sadd.s32 s13, s14;
	s19 =	smax.u32 s4, $0x1;
	[dreg:$0xa] =	wrdreg s0  }
0x11: {  	s14 =	simm.s32 $0x2;
	s8 =	sadd.s32 s13, s1;
	[dreg:$0xb] =	wrdreg s19  }
0x12: {  	s10 =	sadd.s32 $0x7A00, s7;
	s21 =	sadd.s32 $0x400, s9;
	[dreg:$0x7] =	wrdreg s8  }
0x13: {  	s17 =	sadd.s32 $0x7B00, s7;
	s22 =	sadd.s32 $0x800, s9;
	[dreg:$0xd] =	wrdreg s21  }
0x14: {  	s23 =	sadd.s32 $0xC00, s9;
	s24 =	sadd.s32 $0x1000, s9;
	[dreg:$0xe] =	wrdreg s22  }
0x15: {  	s25 =	sadd.s32 $0x1400, s9;
	s26 =	sadd.s32 $0x1800, s9;
	[dreg:$0xf] =	wrdreg s23  }
0x16: {  	s31 =	sadd.s32 $0x1C00, s9;
	s1 =	simm.s32 $0x7A1400;
	[dreg:$0x10] =	wrdreg s24  }
0x17: {  	s13 =	simm.s32 $0xE300;
	s12 =	smov.u32 s10;
	[dreg:$0x11] =	wrdreg s25  }
.Ltmp0:
0x18: {  	s18 =	sadd.s32 s2, s17;
	[dreg:$0x12] =	wrdreg s26;
	(pc) =	sbr.rel .LBB2_1-.Ltmp0, $4  }
0x19: {  	s20 =	sadd.s32 $0x400, s8;
	[dreg:$0x13] =	wrdreg s31;
	s23 =	simm.s32 $0x4  }
0x1a: {  	v4 =	vimm.s32 $0x0;
	s24 =	simm.s32 $0x1A300;
	s25 =	simm.s32 $0x4000;
	s26 =	simm.s32 $0x4200  }
0x1b: {  	v5 =	vimm.s32 $0x1;
	v6 =	vlaneseq.u32;
	v1 =	vmov s10;
	s10 =	simm.s32 $0xA300;
	s12 =	simm.s32 @p0 $0xF4240;
	[dreg:$0x9] =	wrdreg s18  }
0x1c: {  	v3 =	vmov s7;
	v2 =	vmov s17;
	s15 =	simm.s32 $0x0;
	[dreg:$0xc] =	wrdreg s20;
	v0 =	vmov s12;
	s12 =	simm.s32 $0x1  }
.LBB2_35:
0x1d: {  	[tilespmem:$0x1C300] =	vst v7;
	s16 =	simm.s32 $0x0;
	s0 =	rddreg [dreg:$0xa];
	s4 =	simm.s32 $0x1C300  }
0x1e: {  	[hbm4b:s0+s16] =	stream.linear.scatter [tilespmem:s4], [sflag:$0x4], $0x80, $0x38;
	[tilespmem:$0x1C880] =	vst v63  }
0x1f: {  	_ =	swait.ge [sflag:s23], $0x80  }
0x20: {  	s15 =	sadd.s32 $0x1, s15;
	s31 =	rddreg [dreg:$0xb]  }
0x21: {  	p1 =	sne.s32 s15, s31  }
.Ltmp1:
0x22: {  	_ = 	snop;
	(pc) =	sbr.rel @!p1 .LBB2_36-.Ltmp1, $3  }
0x23: {  	_ =	sdelay $0x1  }
0x24: {  	[sflag:s23] =	ssyncset.done $0x0  }
0x25: {  	[sflag:s23] =	ssyncadd.s32 $0xFFFFFF80  }
.LBB2_1:
0x26: {  	s0 =	rddreg [dreg:$0x1]  }
0x27: {  	[tilespmem:s16], [sflag:$0x4] =	stream.linear.gather [hbm4b:s0+s16], $0x4000, $0x38;
	[tilespmem:$0x1C880] =	vst v63  }
0x28: {  	_ =	swait.ge [sflag:s23], $0x4000  }
0x29: {  	[sflag:s23] =	ssyncset.done $0x0  }
0x2a: {  	s31 =	rddreg [dreg:$0x6];
	[sflag:s23] =	ssyncadd.s32 $0xFFFFC000  }
0x2b: {  	[tilespmem:s24], [sflag:$0x4] =	stream.linear.gather [hbm4b:s31+s16], $0x2000, $0x38;
	[tilespmem:$0x1C880] =	vst v63  }
0x2c: {  	_ =	swait.ge [sflag:s23], $0x2000  }
0x2d: {  	[sflag:s23] =	ssyncset.done $0x0  }
0x2e: {  	[sflag:s23] =	ssyncadd.s32 $0xFFFFE000  }
0x2f: {  	[tilespmem:$0x4000] =	vst v4  }
0x30: {  	[tilespmem:$0x4200] =	vst v4  }
0x31: {  	[tilespmem:$0x4010] =	vst v4  }
0x32: {  	[tilespmem:$0x4210] =	vst v4  }
0x33: {  	[tilespmem:$0x4020] =	vst v4  }
0x34: {  	[tilespmem:$0x4220] =	vst v4  }
0x35: {  	[tilespmem:$0x4030] =	vst v4  }
0x36: {  	[tilespmem:$0x4230] =	vst v4  }
0x37: {  	[tilespmem:$0x4040] =	vst v4  }
0x38: {  	[tilespmem:$0x4240] =	vst v4  }
0x39: {  	[tilespmem:$0x4050] =	vst v4  }
0x3a: {  	[tilespmem:$0x4250] =	vst v4  }
0x3b: {  	[tilespmem:$0x4060] =	vst v4  }
0x3c: {  	[tilespmem:$0x4260] =	vst v4  }
0x3d: {  	[tilespmem:$0x4070] =	vst v4  }
0x3e: {  	[tilespmem:$0x4270] =	vst v4  }
0x3f: {  	[tilespmem:$0x4080] =	vst v4  }
0x40: {  	[tilespmem:$0x4280] =	vst v4  }
0x41: {  	[tilespmem:$0x4090] =	vst v4  }
0x42: {  	[tilespmem:$0x4290] =	vst v4  }
0x43: {  	[tilespmem:$0x40A0] =	vst v4  }
0x44: {  	[tilespmem:$0x42A0] =	vst v4  }
0x45: {  	[tilespmem:$0x40B0] =	vst v4  }
0x46: {  	[tilespmem:$0x42B0] =	vst v4  }
0x47: {  	[tilespmem:$0x40C0] =	vst v4  }
0x48: {  	[tilespmem:$0x42C0] =	vst v4  }
0x49: {  	[tilespmem:$0x40D0] =	vst v4  }
0x4a: {  	[tilespmem:$0x42D0] =	vst v4  }
0x4b: {  	[tilespmem:$0x40E0] =	vst v4  }
0x4c: {  	[tilespmem:$0x42E0] =	vst v4  }
0x4d: {  	[tilespmem:$0x40F0] =	vst v4  }
0x4e: {  	s0 =	simm.s32 $0x0;
	[tilespmem:$0x42F0] =	vst v4  }
.LBB2_2:
0x4f: {  	s4 =	sshra.s32 s0, $0x2  }
0x50: {  	v7 =	vld [tilespmem:s4+$0x0];
	_ =	sdelay $0x4  }
0x51: {  	vm0 =	vge.s32 v7, v3;
	vm1 =	vlt.s32 v7, v0;
	v7 =	vsub.s32 v7, v3  }
0x52: {  	vm0 =	vmand vm0, vm1;
	v7 =	vshra.s32 v7, $0x7  }
0x53: {  	v7 =	vnsel vm0, $0xFA, v7;
	_ =	sdelay $0x4  }
0x54: {  	[tilespmem:v7+s25+$0x0] =	vst.idx.add.s32.msk vm0, v5  }
0x55: {  	v7 =	vld [tilespmem:s4+$0x10];
	_ =	sdelay $0x4  }
0x56: {  	vm14 =	vge.s32 v7, v3;
	vm15 =	vlt.s32 v7, v0;
	v7 =	vsub.s32 v7, v3  }
0x57: {  	vm0 =	vmand vm14, vm15;
	v7 =	vshra.s32 v7, $0x7  }
0x58: {  	p1 =	sne.s32 s0, $0xFF80;
	v7 =	vnsel vm0, $0xFA, v7  }
.Ltmp2:
0x59: {  	_ = 	snop;
	(pc) =	sbr.rel @p1 .LBB2_2-.Ltmp2, $2  }
0x5a: {  	_ =	sdelay $0x2  }
0x5b: {  	s0 =	sadd.s32 $0x80, s0;
	s16 =	simm.s32 $0x0;
	[tilespmem:v7+s25+$0x0] =	vst.idx.add.s32.msk vm0, v5  }
0x5c: {  	s18 =	simm.s32 $0x0  }
0x5d: {  	s4 =	simm.s32 $0x10;
	v8 =	vld [tilespmem:s18+$0x4000]  }
0x5e: {  	v7 =	vld [tilespmem:s4+$0x4000];
	_ =	sdelay $0x3  }
0x5f: {  	(xrf0) =	vadd.scan.msk.s32 $0xffff, v8  }
0x60: {  	(xrf0) =	vadd.scan.msk.s32 $0xffff, v7;
	_ =	sdelay $0x4  }
0x61: {  	s17 =	simm.s32 $0x20;
	v12, _, _ =	vpop (xrf0)  }
0x62: {  	v10 =	vld [tilespmem:s17+$0x4000];
	(v2sf) =	vpush v12, $0xF;
	v11, _, _ =	vpop (xrf0)  }
0x63: {  	(v2sf) =	vpush v11, $0xF;
	_ =	sdelay $0x3  }
0x64: {  	s19 =	simm.s32 $0x30;
	(xrf0) =	vadd.scan.msk.s32 $0xffff, v10  }
0x65: {  	v9 =	vld [tilespmem:s19+$0x4000];
	_ =	sdelay $0x3  }
0x66: {  	s0 =	simm.s32 $0x100;
	s20 =	simm.s32 $0x0  }
.LBB2_4:
0x67: {  	s21 =	sshra.s32 s0, $0x2;
	p1 =	sne.s32 s0, $0x3C0;
	s0 =	sadd.s32 $0x40, s0;
	(xrf0) =	vadd.scan.msk.s32 $0xffff, v9;
	v13, _, _ =	vpop (xrf0);
	v14 =	vsub.s32 s20, v8;
	v8 =	vmov v7;
	v7 =	vmov v10  }
.Ltmp3:
0x68: {  	v10 =	vmovc v9;
	(v2sf) =	vpush v13, $0xF;
	v14 =	vadd.s32 v12, v14;
	v12 =	vmovc v11;
	v11 =	vmov v13;
	v9 =	vld [tilespmem:s21+$0x4000];
	(pc) =	sbr.rel @p1 .LBB2_4-.Ltmp3, $4  }
0x69: {  	[tilespmem:s18+$0x4100] =	vst v14;
	s18 =	smov.u32 s4;
	s4 =	smov.u32 s17;
	s17 =	smov.u32 s19  }
0x6a: {  	s19 =	smov.u32 s21  }
0x6b: {  	s21 =	spop (v2sf)  }
0x6c: {  	s20 =	sadd.s32 s20, s21  }
0x6d: {  	v13, _, _ =	vpop (xrf0)  }
0x6e: {  	(xrf0) =	vadd.scan.msk.s32 $0xffff, v9;
	(v2sf) =	vpush v13, $0xF;
	_ =	sdelay $0x5  }
0x6f: {  	v14, _, _ =	vpop (xrf0)  }
0x70: {  	(v2sf) =	vpush v14, $0xF;
	_ =	sdelay $0x5  }
0x71: {  	s0 =	spop (v2sf)  }
0x72: {  	v8 =	vsub.s32 s20, v8;
	s0 =	sadd.s32 s20, s0;
	s21 =	spop (v2sf)  }
0x73: {  	v8 =	vadd.s32 v12, v8;
	v7 =	vsub.s32 s0, v7;
	s0 =	sadd.s32 s0, s21;
	s22 =	spop (v2sf)  }
0x74: {  	[tilespmem:s18+$0x4100] =	vst v8;
	v7 =	vadd.s32 v11, v7;
	v8 =	vsub.s32 s0, v10;
	s0 =	sadd.s32 s0, s22  }
0x75: {  	[tilespmem:s4+$0x4100] =	vst v7;
	v7 =	vadd.s32 v13, v8;
	v8 =	vsub.s32 s0, v9  }
0x76: {  	[tilespmem:s17+$0x4100] =	vst v7;
	v7 =	vadd.s32 v14, v8  }
0x77: {  	[tilespmem:s19+$0x4100] =	vst v7  }
0x78: {  	v7 =	vld [tilespmem:s16+$0x0];
	_ =	sdelay $0x1  }
0x79: {  	s4 =	simm.s32 $0x10;
	s17 =	simm.s32 $0x0;
	s31 =	spop (v2sf)  }
.LBB2_6:
0x7a: {  	p1 =	sne.s32 s4, $0x3FF0;
	_ =	sdelay $0x1  }
0x7b: {  	vm0 =	vge.s32 v7, v3;
	vm1 =	vlt.s32 v7, v0;
	v8 =	vsub.s32 v7, v3  }
0x7c: {  	vm0 =	vmand vm0, vm1;
	v8 =	vshra.s32 v8, $0x7  }
0x7d: {  	v8 =	vnsel vm0, $0xFA, v8  }
0x7e: {  	(xrf1) =	vunique.msk.u32 vm0, v8;
	_ =	sdelay $0x6  }
0x7f: {  	v9 =	vld.idx.msk [tilespmem:v8+s26+$0x0], $0xffff  }
0x80: {  	v10 =	vld.idx.msk [tilespmem:v8+s28+$0x0], $0xffff;
	_ =	sdelay $0x5  }
0x81: {  	v9 =	vadd.s32 v10, v9;
	_, v10, _ =	vpop (xrf1)  }
0x82: {  	v9 =	vadd.s32 v10, v9  }
0x83: {  	v9 =	vadd.s32 $0xFFFFFFFF, v9  }
0x84: {  	vm1 =	vgt.s32 v9, $0x0  }
0x85: {  	v9 =	vnsel vm1, $0x0, v9  }
0x86: {  	v9 =	vmin.u32 v9, $0xFFF;
	_ =	sdelay $0x4  }
0x87: {  	v10 =	vor.u32 s16, v6;
	s16 =	smov.u32 s4;
	[tilespmem:v9+s29+$0x0] =	vst.idx.msk vm0, v7  }
.Ltmp4:
0x88: {  	[tilespmem:v9+s30+$0x0] =	vst.idx.msk vm0, v10;
	(pc) =	sbr.rel @p1 .LBB2_6-.Ltmp4, $3  }
0x89: {  	s17 =	sadd.s32 $0x10, s17;
	[tilespmem:v8+s26+$0x0] =	vst.idx.add.s32.msk vm0, v5  }
0x8a: {  	v7 =	vld [tilespmem:s17+$0x0];
	_ =	sdelay $0x1  }
0x8b: {  	s4 =	sadd.s32 $0x10, s4  }
0x8c: {  	_ =	sdelay $0x1  }
0x8d: {  	vm0 =	vge.s32 v7, v3;
	vm1 =	vlt.s32 v7, v0;
	v8 =	vsub.s32 v7, v3  }
0x8e: {  	vm0 =	vmand vm0, vm1;
	v8 =	vshra.s32 v8, $0x7  }
0x8f: {  	v8 =	vnsel vm0, $0xFA, v8  }
0x90: {  	(xrf1) =	vunique.msk.u32 vm0, v8;
	_ =	sdelay $0x7  }
0x91: {  	v9 =	vld.idx.msk [tilespmem:v8+s26+$0x0], $0xffff  }
0x92: {  	v10 =	vld.idx.msk [tilespmem:v8+s28+$0x0], $0xffff;
	_ =	sdelay $0x4  }
0x93: {  	v9 =	vadd.s32 v10, v9;
	_, v62, _ =	vpop (xrf1)  }
0x94: {  	v9 =	vadd.s32 v62, v9  }
0x95: {  	v9 =	vadd.s32 $0xFFFFFFFF, v9  }
0x96: {  	vm15 =	vgt.s32 v9, $0x0  }
0x97: {  	v9 =	vnsel vm15, $0x0, v9  }
0x98: {  	v9 =	vmin.u32 v9, $0xFFF;
	_ =	sdelay $0x4  }
0x99: {  	v63 =	vor.u32 s16, v6;
	[tilespmem:v9+s29+$0x0] =	vst.idx.msk vm0, v7  }
0x9a: {  	[tilespmem:v9+s30+$0x0] =	vst.idx.msk vm0, v63  }
0x9b: {  	[tilespmem:v8+s26+$0x0] =	vst.idx.add.s32.msk vm0, v5  }
0x9c: {  	[bflag:$0x0] =	sbarrier.arrive $0xFFFF  }
0x9d: {  	s8 =	simm.s32 $0x80;
	s31 =	simm.s32 $0x400;
	s0 =	rddreg [dreg:$0x7]  }
0x9e: {  	[spmem:s0] =	stream.strided.scatter [tilespmem:s28], [sflag:$0x4], $0x100, s31, s8, $0x38;
	[tilespmem:$0x1C880] =	vst v63  }
0x9f: {  	_ =	swait.ge [sflag:s23], $0x100  }
0xa0: {  	[sflag:s23] =	ssyncset.done $0x0  }
0xa1: {  	s4 =	simm.s32 $0x0;
	[sflag:s23] =	ssyncadd.s32 $0xFFFFFF00  }
0xa2: {  	[smem:s4], [sflag:$0x4] =	stream.linear.gather [spmem:s0], $0x80, $0x38;
	[tilespmem:$0x1C880] =	vst v63  }
0xa3: {  	s0 =	rddreg [dreg:$0xc]  }
0xa4: {  	[smem:s8], [sflag:$0x4] =	stream.linear.gather [spmem:s0], $0x80, $0x38;
	[tilespmem:$0x1C880] =	vst v63  }
0xa5: {  	_ =	swait.ge [sflag:s23], $0x100  }
0xa6: {  	[sflag:s23] =	ssyncset.done $0x0  }
0xa7: {  	[sflag:s23] =	ssyncadd.s32 $0xFFFFFF00  }
0xa8: {  	[spmem:s9] =	stream.strided.scatter [tilespmem:s30], [sflag:$0x4], $0x400, s31, s8, $0x38;
	[tilespmem:$0x1C880] =	vst v63  }
0xa9: {  	_ =	swait.ge [sflag:s23], $0x400  }
0xaa: {  	[sflag:s23] =	ssyncset.done $0x0  }
0xab: {  	s17 =	simm.s32 $0x100;
	[sflag:s23] =	ssyncadd.s32 $0xFFFFFC00  }
0xac: {  	[smem:s17], [sflag:$0x4] =	stream.linear.gather [spmem:s9], $0x80, $0x38;
	[tilespmem:$0x1C880] =	vst v63  }
0xad: {  	s18 =	simm.s32 $0x180;
	s0 =	rddreg [dreg:$0xd]  }
0xae: {  	[smem:s18], [sflag:$0x4] =	stream.linear.gather [spmem:s0], $0x80, $0x38;
	[tilespmem:$0x1C880] =	vst v63  }
0xaf: {  	s19 =	simm.s32 $0x200;
	s0 =	rddreg [dreg:$0xe]  }
0xb0: {  	[smem:s19], [sflag:$0x4] =	stream.linear.gather [spmem:s0], $0x80, $0x38;
	[tilespmem:$0x1C880] =	vst v63  }
0xb1: {  	s20 =	simm.s32 $0x280;
	s0 =	rddreg [dreg:$0xf]  }
0xb2: {  	[smem:s20], [sflag:$0x4] =	stream.linear.gather [spmem:s0], $0x80, $0x38;
	[tilespmem:$0x1C880] =	vst v63  }
0xb3: {  	s21 =	simm.s32 $0x300;
	s0 =	rddreg [dreg:$0x10]  }
0xb4: {  	[smem:s21], [sflag:$0x4] =	stream.linear.gather [spmem:s0], $0x80, $0x38;
	[tilespmem:$0x1C880] =	vst v63  }
0xb5: {  	s22 =	simm.s32 $0x380;
	s0 =	rddreg [dreg:$0x11]  }
0xb6: {  	[smem:s22], [sflag:$0x4] =	stream.linear.gather [spmem:s0], $0x80, $0x38;
	[tilespmem:$0x1C880] =	vst v63  }
0xb7: {  	s0 =	rddreg [dreg:$0x12]  }
0xb8: {  	[smem:s31], [sflag:$0x4] =	stream.linear.gather [spmem:s0], $0x80, $0x38;
	[tilespmem:$0x1C880] =	vst v63  }
0xb9: {  	s31 =	simm.s32 $0x480;
	s0 =	rddreg [dreg:$0x13]  }
0xba: {  	[smem:s31], [sflag:$0x4] =	stream.linear.gather [spmem:s0], $0x80, $0x38;
	[tilespmem:$0x1C880] =	vst v63  }
0xbb: {  	_ =	swait.ge [sflag:s23], $0x400  }
0xbc: {  	[sflag:s23] =	ssyncset.done $0x0  }
0xbd: {  	[sflag:s23] =	ssyncadd.s32 $0xFFFFFC00  }
0xbe: {  	s16 =	sld [smem:$0xF9];
	_ =	sdelay $0x2  }
0xbf: {  	p1 =	sle.s32 s16, $0x0  }
0xc0: {  	s0 =	sld @!p1 [smem:$0x100];
	_ =	sdelay $0x2  }
0xc1: {  	s17 =	simm.s32 $0x40;
	p2 =	sgt.s32 @!p1 s0, $0x0  }
0xc2: {  	s18 =	simm.s32 $0x1;
	s19 =	simm.s32 $0x101;
	p2 =	por !p2, p1  }
.LBB2_8:
0xc3: {  	s0 =	simm.s32 @p2 $0x0;
	s20 =	simm.s32 @!p1 $0x80;
	s21 =	smov.u32 s17  }
0xc4: {  	p2 =	por p1, p1;
	p1 =	sle.s32 s16, s18;
	s17 =	sadd.s32 $0x40, s17  }
0xc5: {  	s22 =	smin.u32 @!p2 s0, $0x3FFF;
	s4 =	sand.u32 @!p2 $0xFFC0, s4;
	s31 =	simm.s32 @!p2 $0x400  }
0xc6: {  	p3 =	sne.s32 s17, $0xC000;
	s0 =	sld @!p1 [smem:s19+$0x0];
	s22 =	sshll.u32 @!p2 s22, $0x4  }
.Ltmp5:
0xc7: {  	s8 =	sadd.s32 @!p2 $0xE300, s4;
	s22 =	sadd.s32 @!p2 s5, s22;
	(pc) =	sbr.rel @p3 .LBB2_8-.Ltmp5, $4  }
0xc8: {  	[tilespmem:s8], [sflag:$0x3] =	stream.strided.gather @!p2 [hbm4b:s22+s20], $0x0, s31, s20, $0x38;
	[tilespmem:$0x1C880] =	vst v63  }
0xc9: {  	s4 =	smov.u32 s21;
	s20 =	simm.s32 @!p2 $0x0;
	p4 =	sgt.s32 @!p1 s0, $0x0  }
0xca: {  	[tilespmem:s8], [sflag:$0x3] =	stream.linear.gather @!p2 [hbm4b:s22+s20], $0x40, $0x38;
	[tilespmem:$0x1C880] =	vst v63  }
0xcb: {  	s18 =	sadd.s32 $0x1, s18;
	s19 =	sadd.s32 $0x1, s19;
	p2 =	por !p4, p1  }
0xcc: {  	s0 =	simm.s32 @p2 $0x0;
	p2 =	por p1, p1  }
0xcd: {  	s0 =	smin.u32 @!p2 s0, $0x3FFF  }
0xce: {  	s8 =	simm.s32 @!p1 $0x80;
	s4 =	sand.u32 @!p2 $0xFFC0, s4;
	s0 =	sshll.u32 @!p2 s0, $0x4  }
0xcf: {  	s17 =	simm.s32 @!p2 $0x400;
	s4 =	sadd.s32 @!p2 $0xE300, s4;
	s0 =	sadd.s32 @!p2 s5, s0  }
0xd0: {  	[tilespmem:s4], [sflag:$0x3] =	stream.strided.gather @!p2 [hbm4b:s0+s8], $0x0, s17, s8, $0x38;
	[tilespmem:$0x1C880] =	vst v63  }
0xd1: {  	p1 =	sle.s32 s16, $0x0;
	s8 =	simm.s32 @!p2 $0x0  }
0xd2: {  	[tilespmem:s4], [sflag:$0x3] =	stream.linear.gather @!p2 [hbm4b:s0+s8], $0x40, $0x38;
	[tilespmem:$0x1C880] =	vst v63  }
0xd3: {  	s4 =	simm.s32 @!p1 $0x3  }
0xd4: {  	_ =	swait.ge @!p1 [sflag:s4], $0x40  }
0xd5: {  	s0 =	simm.s32 $0x1;
	[sflag:s4] =	ssyncset.done @!p1 $0x0  }
.LBB2_10:
0xd6: {  	[sflag:s4] =	ssyncadd.s32 @!p1 $0xFFFFFFC0;
	s4 =	smov.u32 s0;
	s0 =	sadd.s32 $0x1, s0  }
0xd7: {  	p2 =	sne.s32 s0, $0x300  }
.Ltmp6:
0xd8: {  	(pc) =	sbr.rel @p2 .LBB2_10-.Ltmp6, $4  }
0xd9: {  	p1 =	sle.s32 s16, s4  }
0xda: {  	s4 =	simm.s32 @!p1 $0x3  }
0xdb: {  	_ =	swait.ge @!p1 [sflag:s4], $0x40  }
0xdc: {  	[sflag:s4] =	ssyncset.done @!p1 $0x0  }
.Ltmp7:
0xdd: {  	(pc) =	sbr.rel .LBB2_12-.Ltmp7, $3  }
0xde: {  	_ =	sdelay $0x1  }
0xdf: {  	[sflag:s4] =	ssyncadd.s32 @!p1 $0xFFFFFFC0;
	s0 =	rddreg [dreg:$0x8];
	s17 =	simm.s32 $0x0  }
0xe0: {  	v7 =	vimm.f32 $0.0e+00;
	[tilespmem:s6], [sflag:$0x1] =	stream.strided.gather [hbm4b:s0+s3], $0x4000, s1, s3, $0x38;
	[tilespmem:$0x1C880] =	vst v63  }
.LBB2_22:
0xe1: {  	s17 =	sadd.s32 $0x1, s17  }
0xe2: {  	p1 =	sne.s32 s17, $0x3D  }
.Ltmp8:
0xe3: {  	_ = 	snop;
	(pc) =	sbr.rel @!p1 .LBB2_23-.Ltmp8, $1  }
0xe4: {  	_ =	sdelay $0x3  }
.LBB2_12:
0xe5: {  	s0 =	sshllo.u32 s17, $0x1  }
0xe6: {  	s4 =	sshll.u32 s0, $0x8  }
0xe7: {  	s19 =	sadd.s32 s7, s4  }
0xe8: {  	s4 =	sadd.s32 s2, s19  }
0xe9: {  	[tilespmem:s10], [sflag:$0x2] =	stream.strided.gather [hbm4b:s4+s3], $0x4000, s1, s3, $0x38;
	[tilespmem:$0x1C880] =	vst v63  }
0xea: {  	_ =	swait.ge [sflag:s12], $0x4000  }
0xeb: {  	s21 =	sshll.u32 s17, $0x2;
	[sflag:s12] =	ssyncset.done $0x0  }
0xec: {  	s0 =	sshll.u32 s0, $0x1;
	s4 =	sand.u32 $0x3FFFFFFC, s21;
	[sflag:s12] =	ssyncadd.s32 $0xFFFFC000  }
0xed: {  	s0 =	sand.u32 $0x3FFFFFFE, s0;
	s20 =	sld [smem:s4+$0x0]  }
0xee: {  	s18 =	sld [smem:s0+$0x0];
	_ =	sdelay $0x2  }
0xef: {  	s0 =	ssub.s32 s18, s20  }
0xf0: {  	s0 =	sadd.s32 $0xF, s0  }
0xf1: {  	s22 =	sand.u32 $0xF, s0  }
0xf2: {  	s31 =	sshra.s32 s0, $0x1F;
	p2 =	slt.s32 s0, $0x1;
	p1 =	sne.s32 s22, $0x0  }
0xf3: {  	s4 =	sshrl.u32 s31, $0x1C;
	p1 =	por !p2, !p1  }
0xf4: {  	s0 =	sadd.s32 s4, s0;
	s4 =	simm.s32 $0x1;
	p1 =	por !p1, !p1  }
0xf5: {  	s0 =	sshra.s32 s0, $0x4;
	s4 =	simm.s32 @!p1 $0x0  }
0xf6: {  	s21 =	ssub.s32 s0, s4  }
0xf7: {  	p1 =	slt.s32 s21, $0x1  }
.Ltmp9:
0xf8: {  	_ = 	snop;
	(pc) =	sbr.rel @p1 .LBB2_17-.Ltmp9, $1  }
0xf9: {  	_ =	sdelay $0x3  }
0xfa: {  	s0 =	sshll.u32 s17, $0x9  }
0xfb: {  	s0 =	sadd.s32 s7, s0  }
0xfc: {  	s22 =	simm.s32 $0x0;
	s4 =	simm.s32 $0x0;
	v8 =	vmov s0  }
.LBB2_14:
0xfd: {  	s0 =	sshll.u32 s4, $0x4  }
0xfe: {  	s0 =	sadd.s32 s20, s0  }
0xff: {  	v9 =	vadd.s32 s0, v6  }
0x100: {  	vm0 =	vgt.s32 v9, $0x0  }
0x101: {  	v9 =	vnsel vm0, $0x0, v9  }
0x102: {  	v10 =	vmin.u32 v9, $0xFFF;
	_ =	sdelay $0x4  }
0x103: {  	v10 =	vld.idx.msk [tilespmem:v10+s29+$0x0], $0xffff;
	_ =	sdelay $0x4  }
0x104: {  	v10 =	vsub.s32 v10, v8  }
0x105: {  	s0 =	ssub.s32 s18, s0;
	vm0 =	vgt.s32 v10, $0x0  }
0x106: {  	v11 =	vmov s0;
	v10 =	vnsel vm0, $0x0, v10  }
0x107: {  	v12 =	vmov s22;
	vm0 =	vgt.s32 v11, v6;
	v10 =	vmin.u32 v10, $0xFF  }
0x108: {  	v15 =	vshll.u32 v12, $0x7;
	v11 =	vnsel vm0, $0x0, v10  }
0x109: {  	v12 =	vshll.u32 v12, $0x8;
	v9 =	vmin.u32 v9, $0x2FF;
	v10 =	vshll.u32 v11, $0x3  }
0x10a: {  	v9 =	vshll.u32 v9, $0x6;
	v13 =	vand.u32 $0x7F, v11;
	v14 =	vand.u32 $0x400, v10  }
0x10b: {  	v16 =	vor.u32 s22, v9;
	v10 =	vor.u32 v14, v13;
	v13 =	vand.u32 $0x300, v15  }
0x10c: {  	v15 =	vand.u32 $0x3800, v12;
	v14 =	vor.u32 v14, v11;
	v12 =	vor.u32 v10, v13  }
0x10d: {  	s8 =	simm.s32 $0x2;
	v11 =	vor.u32 $0x1, v9;
	v17 =	vor.u32 v15, v12;
	v12 =	vor.u32 $0x80, v14  }
0x10e: {  	v18 =	vor.u32 s22, v11;
	v14 =	vmov s8;
	v13 =	vor.u32 v12, v13  }
0x10f: {  	v19 =	vshll.u32 v14, $0x7;
	v15 =	vor.u32 v15, v13  }
0x110: {  	v14 =	vshll.u32 v14, $0x8;
	v19 =	vand.u32 $0x300, v19  }
0x111: {  	v23 =	vor.u32 s8, v9;
	v25 =	vld.idx.msk [tilespmem:v16+s13+$0x0], $0xffff;
	v20 =	vand.u32 $0x3800, v14;
	v13 =	vor.u32 v10, v19  }
0x112: {  	v27 =	vor.u32 v20, v13;
	v26 =	vld.idx.msk [tilespmem:v17+s6+$0x0], $0xffff  }
0x113: {  	s31 =	simm.s32 $0x4;
	v14 =	vor.u32 s8, v11;
	v13 =	vld.idx.msk [tilespmem:v18+s13+$0x0], $0xffff;
	v18 =	vor.u32 v12, v19  }
0x114: {  	v16 =	vmov s31;
	v20 =	vor.u32 v20, v18;
	v15 =	vld.idx.msk [tilespmem:v15+s6+$0x0], $0xffff  }
0x115: {  	v19 =	vshll.u32 v16, $0x8;
	v16 =	vshll.u32 v16, $0x7  }
0x116: {  	v17 =	vimm.f32 $0.0e+00;
	v21 =	vand.u32 $0x3800, v19;
	v22 =	vand.u32 $0x300, v16;
	v16 =	vld.idx.msk [tilespmem:v23+s13+$0x0], $0xffff  }
0x117: {  	s0 =	simm.s32 $0x6;
	v19 =	vor.u32 s31, v9;
	v24 =	vor.u32 v10, v22;
	v18 =	vld.idx.msk [tilespmem:v27+s6+$0x0], $0xffff;
	v23 =	vsub.f32 v25, v26  }
.LBB2_15:
0x118: {  	v25 =	vmov s0;
	v26 =	vor.u32 v21, v24;
	v24 =	vmovc v13;
	v13 =	vld.idx.msk [tilespmem:v14+s13+$0x0], $0xffff;
	v14 =	vor.u32 s31, v11;
	s31 =	smov.u32 s0;
	p1 =	sne.s32 s0, $0x3E  }
.Ltmp10:
0x119: {  	v22 =	vor.u32 v12, v22;
	v24 =	vsub.f32 v24, v15;
	v15 =	vld.idx.msk [tilespmem:v20+s6+$0x0], $0xffff;
	v28 =	vmul.f32 v23, v23;
	(pc) =	sbr.rel @p1 .LBB2_15-.Ltmp10, $4  }
0x11a: {  	s0 =	sadd.s32 $0x2, s0;
	v27 =	vshll.u32 v25, $0x8;
	v20 =	vor.u32 v21, v22  }
0x11b: {  	v22 =	vshll.u32 v25, $0x7;
	v17 =	vadd.f32 v28, v17;
	v25 =	vmul.f32 v24, v24  }
0x11c: {  	v21 =	vand.u32 $0x3800, v27;
	v22 =	vand.u32 $0x300, v22;
	v23 =	vmovc v16;
	v16 =	vld.idx.msk [tilespmem:v19+s13+$0x0], $0xffff;
	v19 =	vor.u32 s31, v9  }
0x11d: {  	v24 =	vor.u32 v10, v22;
	v23 =	vsub.f32 v23, v18;
	v18 =	vld.idx.msk [tilespmem:v26+s6+$0x0], $0xffff;
	v17 =	vadd.f32 v25, v17  }
0x11e: {  	_ =	sdelay $0x1  }
0x11f: {  	v9 =	vor.u32 v21, v24  }
0x120: {  	v10 =	vor.u32 s31, v11;
	v11 =	vor.u32 v12, v22  }
0x121: {  	v60 =	vld.idx.msk [tilespmem:v14+s13+$0x0], $0xffff;
	v11 =	vor.u32 v21, v11  }
0x122: {  	v61 =	vld.idx.msk [tilespmem:v20+s6+$0x0], $0xffff  }
0x123: {  	v13 =	vsub.f32 v13, v15;
	v19 =	vld.idx.msk [tilespmem:v19+s13+$0x0], $0xffff;
	v62 =	vmul.f32 v23, v23  }
0x124: {  	v9 =	vld.idx.msk [tilespmem:v9+s6+$0x0], $0xffff  }
0x125: {  	v13 =	vmul.f32 v13, v13;
	v15 =	vadd.f32 v62, v17;
	v16 =	vsub.f32 v16, v18;
	v10 =	vld.idx.msk [tilespmem:v10+s13+$0x0], $0xffff  }
0x126: {  	v11 =	vld.idx.msk [tilespmem:v11+s6+$0x0], $0xffff  }
0x127: {  	v13 =	vadd.f32 v13, v15;
	v12 =	vsub.f32 v60, v61;
	v63 =	vmul.f32 v16, v16;
	_ =	sdelay $0x1  }
0x128: {  	v12 =	vmul.f32 v12, v12;
	v13 =	vadd.f32 v63, v13;
	v9 =	vsub.f32 v19, v9;
	_ =	sdelay $0x1  }
0x129: {  	v12 =	vadd.f32 v12, v13;
	v10 =	vsub.f32 v10, v11;
	v9 =	vmul.f32 v9, v9;
	_ =	sdelay $0x1  }
0x12a: {  	v10 =	vmul.f32 v10, v10;
	v9 =	vadd.f32 v9, v12;
	_ =	sdelay $0x1  }
0x12b: {  	s4 =	sadd.s32 $0x1, s4;
	v9 =	vadd.f32 v10, v9  }
0x12c: {  	p1 =	sne.s32 s4, s21  }
.Ltmp11:
0x12d: {  	v9 =	vmax.f32 v9, $9.999999960e-13;
	(pc) =	sbr.rel @p1 .LBB2_14-.Ltmp11, $3  }
0x12e: {  	v9 =	vmin.f32 v9, $9.999999950e+11  }
0x12f: {  	v9 =	vnsel vm0, $0x0, v9  }
0x130: {  	v7 =	vadd.f32 v9, v7;
	_ =	sdelay $0x1  }
.LBB2_17:
0x131: {  	s0 =	sshll.u32 s17, $0x1  }
0x132: {  	s0 =	sadd.s32 $0x2, s0  }
0x133: {  	s4 =	sshll.u32 s0, $0xB  }
0x134: {  	s4 =	sadd.s32 s11, s4  }
0x135: {  	s4 =	sshrl.u32 s4, $0x3  }
0x136: {  	s4 =	sadd.s32 s2, s4  }
0x137: {  	[tilespmem:s6], [sflag:$0x1] =	stream.strided.gather [hbm4b:s4+s3], $0x4000, s1, s3, $0x38;
	[tilespmem:$0x1C880] =	vst v63  }
0x138: {  	_ =	swait.ge [sflag:s14], $0x4000  }
0x139: {  	s0 =	sshll.u32 s0, $0x1;
	[sflag:s14] =	ssyncset.done $0x0  }
0x13a: {  	s0 =	sand.u32 $0x3FFFFFFE, s0;
	[sflag:s14] =	ssyncadd.s32 $0xFFFFC000  }
0x13b: {  	s20 =	sld [smem:s0+$0x0];
	_ =	sdelay $0x2  }
0x13c: {  	s0 =	ssub.s32 s20, s18  }
0x13d: {  	s0 =	sadd.s32 $0xF, s0  }
0x13e: {  	s22 =	sand.u32 $0xF, s0  }
0x13f: {  	s31 =	sshra.s32 s0, $0x1F;
	p2 =	slt.s32 s0, $0x1;
	p1 =	sne.s32 s22, $0x0  }
0x140: {  	s4 =	sshrl.u32 s31, $0x1C;
	p1 =	por !p2, !p1  }
0x141: {  	s0 =	sadd.s32 s4, s0;
	s4 =	simm.s32 $0x1;
	p1 =	por !p1, !p1  }
0x142: {  	s0 =	sshra.s32 s0, $0x4;
	s4 =	simm.s32 @!p1 $0x0  }
0x143: {  	s21 =	ssub.s32 s0, s4  }
0x144: {  	p1 =	slt.s32 s21, $0x1  }
.Ltmp12:
0x145: {  	_ = 	snop;
	(pc) =	sbr.rel @p1 .LBB2_22-.Ltmp12, $1  }
0x146: {  	_ =	sdelay $0x3  }
0x147: {  	v8 =	vmov s19;
	s19 =	simm.s32 $0x0;
	s4 =	simm.s32 $0x0  }
.LBB2_19:
0x148: {  	s0 =	sshll.u32 s4, $0x4  }
0x149: {  	s0 =	sadd.s32 s18, s0  }
0x14a: {  	v9 =	vadd.s32 s0, v6  }
0x14b: {  	vm0 =	vgt.s32 v9, $0x0  }
0x14c: {  	v9 =	vnsel vm0, $0x0, v9  }
0x14d: {  	v10 =	vmin.u32 v9, $0xFFF;
	_ =	sdelay $0x4  }
0x14e: {  	v10 =	vld.idx.msk [tilespmem:v10+s29+$0x0], $0xffff;
	_ =	sdelay $0x4  }
0x14f: {  	v10 =	vsub.s32 v10, v8  }
0x150: {  	s0 =	ssub.s32 s20, s0;
	vm0 =	vgt.s32 v10, $0x0  }
0x151: {  	v11 =	vmov s0;
	v10 =	vnsel vm0, $0x0, v10  }
0x152: {  	v12 =	vmov s19;
	vm0 =	vgt.s32 v11, v6;
	v10 =	vmin.u32 v10, $0xFF  }
0x153: {  	v15 =	vshll.u32 v12, $0x7;
	v11 =	vnsel vm0, $0x0, v10  }
0x154: {  	v12 =	vshll.u32 v12, $0x8;
	v9 =	vmin.u32 v9, $0x2FF;
	v10 =	vshll.u32 v11, $0x3  }
0x155: {  	v9 =	vshll.u32 v9, $0x6;
	v13 =	vand.u32 $0x7F, v11;
	v14 =	vand.u32 $0x400, v10  }
0x156: {  	v16 =	vor.u32 s19, v9;
	v10 =	vor.u32 v14, v13;
	v13 =	vand.u32 $0x300, v15  }
0x157: {  	v15 =	vand.u32 $0x3800, v12;
	v14 =	vor.u32 v14, v11;
	v12 =	vor.u32 v10, v13  }
0x158: {  	s31 =	simm.s32 $0x2;
	v11 =	vor.u32 $0x1, v9;
	v17 =	vor.u32 v15, v12;
	v12 =	vor.u32 $0x80, v14  }
0x159: {  	v18 =	vor.u32 s19, v11;
	v14 =	vmov s31;
	v13 =	vor.u32 v12, v13  }
0x15a: {  	v19 =	vshll.u32 v14, $0x7;
	v15 =	vor.u32 v15, v13  }
0x15b: {  	v14 =	vshll.u32 v14, $0x8;
	v19 =	vand.u32 $0x300, v19  }
0x15c: {  	v23 =	vor.u32 s31, v9;
	v25 =	vld.idx.msk [tilespmem:v16+s13+$0x0], $0xffff;
	v20 =	vand.u32 $0x3800, v14;
	v13 =	vor.u32 v10, v19  }
0x15d: {  	v27 =	vor.u32 v20, v13;
	v26 =	vld.idx.msk [tilespmem:v17+s10+$0x0], $0xffff  }
0x15e: {  	s22 =	simm.s32 $0x4;
	v14 =	vor.u32 s31, v11;
	v13 =	vld.idx.msk [tilespmem:v18+s13+$0x0], $0xffff;
	v18 =	vor.u32 v12, v19  }
0x15f: {  	v16 =	vmov s22;
	v20 =	vor.u32 v20, v18;
	v15 =	vld.idx.msk [tilespmem:v15+s10+$0x0], $0xffff  }
0x160: {  	v19 =	vshll.u32 v16, $0x8;
	v16 =	vshll.u32 v16, $0x7  }
0x161: {  	v17 =	vimm.f32 $0.0e+00;
	v21 =	vand.u32 $0x3800, v19;
	v22 =	vand.u32 $0x300, v16;
	v16 =	vld.idx.msk [tilespmem:v23+s13+$0x0], $0xffff  }
0x162: {  	s0 =	simm.s32 $0x6;
	v19 =	vor.u32 s22, v9;
	v24 =	vor.u32 v10, v22;
	v18 =	vld.idx.msk [tilespmem:v27+s10+$0x0], $0xffff;
	v23 =	vsub.f32 v25, v26  }
.LBB2_20:
0x163: {  	v25 =	vmov s0;
	v26 =	vor.u32 v21, v24;
	v24 =	vmovc v13;
	v13 =	vld.idx.msk [tilespmem:v14+s13+$0x0], $0xffff;
	v14 =	vor.u32 s22, v11;
	s22 =	smov.u32 s0;
	p1 =	sne.s32 s0, $0x3E  }
.Ltmp13:
0x164: {  	v22 =	vor.u32 v12, v22;
	v24 =	vsub.f32 v24, v15;
	v15 =	vld.idx.msk [tilespmem:v20+s10+$0x0], $0xffff;
	v28 =	vmul.f32 v23, v23;
	(pc) =	sbr.rel @p1 .LBB2_20-.Ltmp13, $4  }
0x165: {  	s0 =	sadd.s32 $0x2, s0;
	v27 =	vshll.u32 v25, $0x8;
	v20 =	vor.u32 v21, v22  }
0x166: {  	v22 =	vshll.u32 v25, $0x7;
	v17 =	vadd.f32 v28, v17;
	v25 =	vmul.f32 v24, v24  }
0x167: {  	v21 =	vand.u32 $0x3800, v27;
	v22 =	vand.u32 $0x300, v22;
	v23 =	vmovc v16;
	v16 =	vld.idx.msk [tilespmem:v19+s13+$0x0], $0xffff;
	v19 =	vor.u32 s22, v9  }
0x168: {  	v24 =	vor.u32 v10, v22;
	v23 =	vsub.f32 v23, v18;
	v18 =	vld.idx.msk [tilespmem:v26+s10+$0x0], $0xffff;
	v17 =	vadd.f32 v25, v17  }
0x169: {  	_ =	sdelay $0x1  }
0x16a: {  	v9 =	vor.u32 v21, v24  }
0x16b: {  	v10 =	vor.u32 s22, v11;
	v11 =	vor.u32 v12, v22  }
0x16c: {  	v60 =	vld.idx.msk [tilespmem:v14+s13+$0x0], $0xffff;
	v11 =	vor.u32 v21, v11  }
0x16d: {  	v61 =	vld.idx.msk [tilespmem:v20+s10+$0x0], $0xffff  }
0x16e: {  	v13 =	vsub.f32 v13, v15;
	v19 =	vld.idx.msk [tilespmem:v19+s13+$0x0], $0xffff;
	v62 =	vmul.f32 v23, v23  }
0x16f: {  	v9 =	vld.idx.msk [tilespmem:v9+s10+$0x0], $0xffff  }
0x170: {  	v13 =	vmul.f32 v13, v13;
	v15 =	vadd.f32 v62, v17;
	v16 =	vsub.f32 v16, v18;
	v10 =	vld.idx.msk [tilespmem:v10+s13+$0x0], $0xffff  }
0x171: {  	v11 =	vld.idx.msk [tilespmem:v11+s10+$0x0], $0xffff  }
0x172: {  	v13 =	vadd.f32 v13, v15;
	v12 =	vsub.f32 v60, v61;
	v63 =	vmul.f32 v16, v16;
	_ =	sdelay $0x1  }
0x173: {  	v12 =	vmul.f32 v12, v12;
	v13 =	vadd.f32 v63, v13;
	v9 =	vsub.f32 v19, v9;
	_ =	sdelay $0x1  }
0x174: {  	v12 =	vadd.f32 v12, v13;
	v10 =	vsub.f32 v10, v11;
	v9 =	vmul.f32 v9, v9;
	_ =	sdelay $0x1  }
0x175: {  	v10 =	vmul.f32 v10, v10;
	v9 =	vadd.f32 v9, v12  }
0x176: {  	s4 =	sadd.s32 $0x1, s4  }
0x177: {  	p1 =	sne.s32 s4, s21;
	v9 =	vadd.f32 v10, v9  }
.Ltmp14:
0x178: {  	_ = 	snop;
	(pc) =	sbr.rel @p1 .LBB2_19-.Ltmp14, $4  }
.Ltmp15:
0x179: {  	v9 =	vmax.f32 v9, $9.999999960e-13;
	(pc) =	sbr.rel @!p1 .LBB2_22-.Ltmp15, $4  }
0x17a: {  	v9 =	vmin.f32 v9, $9.999999950e+11  }
0x17b: {  	v9 =	vnsel vm0, $0x0, v9  }
0x17c: {  	v7 =	vadd.f32 v9, v7  }
0x17d: {  	_ = 	snop  }
.LBB2_23:
0x17e: {  	s0 =	rddreg [dreg:$0x9]  }
0x17f: {  	[tilespmem:s10], [sflag:$0x2] =	stream.strided.gather [hbm4b:s0+s3], $0x4000, s1, s3, $0x38;
	[tilespmem:$0x1C880] =	vst v63  }
0x180: {  	_ =	swait.ge [sflag:s12], $0x4000  }
0x181: {  	[sflag:s12] =	ssyncset.done $0x0  }
0x182: {  	[sflag:s12] =	ssyncadd.s32 $0xFFFFC000  }
0x183: {  	s18 =	sld [smem:$0xF4]  }
0x184: {  	s17 =	sld [smem:$0xF6];
	_ =	sdelay $0x2  }
0x185: {  	s22 =	ssub.s32 s17, s18  }
0x186: {  	s0 =	sadd.s32 $0xF, s22  }
0x187: {  	s4 =	sand.u32 $0xF, s0  }
0x188: {  	s8 =	sshra.s32 s0, $0x1F;
	p1 =	slt.s32 s0, $0x1;
	p2 =	sne.s32 s4, $0x0  }
0x189: {  	s31 =	sshrl.u32 s8, $0x1C;
	p1 =	por !p1, !p2  }
0x18a: {  	s4 =	simm.s32 $0x1;
	s0 =	sadd.s32 s31, s0;
	p1 =	por !p1, !p1  }
0x18b: {  	s0 =	sshra.s32 s0, $0x4;
	s4 =	simm.s32 @!p1 $0x0  }
0x18c: {  	s19 =	ssub.s32 s0, s4  }
0x18d: {  	p1 =	slt.s32 s19, $0x1  }
.Ltmp16:
0x18e: {  	_ = 	snop;
	(pc) =	sbr.rel @p1 .LBB2_27-.Ltmp16, $2  }
0x18f: {  	_ =	sdelay $0x2  }
0x190: {  	s20 =	simm.s32 $0x0;
	s21 =	simm.s32 $0x0  }
.LBB2_24:
0x191: {  	s0 =	sshll.u32 s21, $0x4  }
0x192: {  	s0 =	sadd.s32 s18, s0  }
0x193: {  	v8 =	vadd.s32 s0, v6  }
0x194: {  	vm0 =	vgt.s32 v8, $0x0  }
0x195: {  	v8 =	vnsel vm0, $0x0, v8  }
0x196: {  	v9 =	vmin.u32 v8, $0xFFF;
	_ =	sdelay $0x4  }
0x197: {  	v9 =	vld.idx.msk [tilespmem:v9+s29+$0x0], $0xffff;
	_ =	sdelay $0x4  }
0x198: {  	v9 =	vsub.s32 v9, v1  }
0x199: {  	s0 =	ssub.s32 s17, s0;
	vm0 =	vgt.s32 v9, $0x0  }
0x19a: {  	v10 =	vmov s0;
	v9 =	vnsel vm0, $0x0, v9  }
0x19b: {  	v11 =	vmov s20;
	vm0 =	vgt.s32 v10, v6;
	v9 =	vmin.u32 v9, $0xFF  }
0x19c: {  	v14 =	vshll.u32 v11, $0x7;
	v10 =	vnsel vm0, $0x0, v9  }
0x19d: {  	v11 =	vshll.u32 v11, $0x8;
	v8 =	vmin.u32 v8, $0x2FF;
	v9 =	vshll.u32 v10, $0x3  }
0x19e: {  	v8 =	vshll.u32 v8, $0x6;
	v12 =	vand.u32 $0x7F, v10;
	v13 =	vand.u32 $0x400, v9  }
0x19f: {  	v15 =	vor.u32 s20, v8;
	v9 =	vor.u32 v13, v12;
	v12 =	vand.u32 $0x300, v14  }
0x1a0: {  	v14 =	vand.u32 $0x3800, v11;
	v13 =	vor.u32 v13, v10;
	v11 =	vor.u32 v9, v12  }
0x1a1: {  	s31 =	simm.s32 $0x2;
	v10 =	vor.u32 $0x1, v8;
	v16 =	vor.u32 v14, v11;
	v11 =	vor.u32 $0x80, v13  }
0x1a2: {  	v17 =	vor.u32 s20, v10;
	v13 =	vmov s31;
	v12 =	vor.u32 v11, v12  }
0x1a3: {  	v18 =	vshll.u32 v13, $0x7;
	v14 =	vor.u32 v14, v12  }
0x1a4: {  	v13 =	vshll.u32 v13, $0x8;
	v18 =	vand.u32 $0x300, v18  }
0x1a5: {  	v22 =	vor.u32 s31, v8;
	v24 =	vld.idx.msk [tilespmem:v15+s13+$0x0], $0xffff;
	v19 =	vand.u32 $0x3800, v13;
	v12 =	vor.u32 v9, v18  }
0x1a6: {  	v26 =	vor.u32 v19, v12;
	v25 =	vld.idx.msk [tilespmem:v16+s6+$0x0], $0xffff  }
0x1a7: {  	s4 =	simm.s32 $0x4;
	v13 =	vor.u32 s31, v10;
	v12 =	vld.idx.msk [tilespmem:v17+s13+$0x0], $0xffff;
	v17 =	vor.u32 v11, v18  }
0x1a8: {  	v15 =	vmov s4;
	v19 =	vor.u32 v19, v17;
	v14 =	vld.idx.msk [tilespmem:v14+s6+$0x0], $0xffff  }
0x1a9: {  	v18 =	vshll.u32 v15, $0x8;
	v15 =	vshll.u32 v15, $0x7  }
0x1aa: {  	v16 =	vimm.f32 $0.0e+00;
	v20 =	vand.u32 $0x3800, v18;
	v21 =	vand.u32 $0x300, v15;
	v15 =	vld.idx.msk [tilespmem:v22+s13+$0x0], $0xffff  }
0x1ab: {  	s0 =	simm.s32 $0x6;
	v18 =	vor.u32 s4, v8;
	v23 =	vor.u32 v9, v21;
	v17 =	vld.idx.msk [tilespmem:v26+s6+$0x0], $0xffff;
	v22 =	vsub.f32 v24, v25  }
.LBB2_25:
0x1ac: {  	v24 =	vmov s0;
	v25 =	vor.u32 v20, v23;
	v23 =	vmovc v12;
	v12 =	vld.idx.msk [tilespmem:v13+s13+$0x0], $0xffff;
	v13 =	vor.u32 s4, v10;
	s4 =	smov.u32 s0;
	p1 =	sne.s32 s0, $0x3E  }
.Ltmp17:
0x1ad: {  	v21 =	vor.u32 v11, v21;
	v23 =	vsub.f32 v23, v14;
	v14 =	vld.idx.msk [tilespmem:v19+s6+$0x0], $0xffff;
	v27 =	vmul.f32 v22, v22;
	(pc) =	sbr.rel @p1 .LBB2_25-.Ltmp17, $4  }
0x1ae: {  	s0 =	sadd.s32 $0x2, s0;
	v26 =	vshll.u32 v24, $0x8;
	v19 =	vor.u32 v20, v21  }
0x1af: {  	v21 =	vshll.u32 v24, $0x7;
	v16 =	vadd.f32 v27, v16;
	v24 =	vmul.f32 v23, v23  }
0x1b0: {  	v20 =	vand.u32 $0x3800, v26;
	v21 =	vand.u32 $0x300, v21;
	v22 =	vmovc v15;
	v15 =	vld.idx.msk [tilespmem:v18+s13+$0x0], $0xffff;
	v18 =	vor.u32 s4, v8  }
0x1b1: {  	v23 =	vor.u32 v9, v21;
	v22 =	vsub.f32 v22, v17;
	v17 =	vld.idx.msk [tilespmem:v25+s6+$0x0], $0xffff;
	v16 =	vadd.f32 v24, v16  }
0x1b2: {  	_ =	sdelay $0x1  }
0x1b3: {  	v8 =	vor.u32 v20, v23  }
0x1b4: {  	v9 =	vor.u32 s4, v10;
	v59 =	vor.u32 v11, v21  }
0x1b5: {  	v60 =	vld.idx.msk [tilespmem:v13+s13+$0x0], $0xffff;
	v10 =	vor.u32 v20, v59  }
0x1b6: {  	v61 =	vld.idx.msk [tilespmem:v19+s6+$0x0], $0xffff  }
0x1b7: {  	v12 =	vsub.f32 v12, v14;
	v18 =	vld.idx.msk [tilespmem:v18+s13+$0x0], $0xffff;
	v62 =	vmul.f32 v22, v22  }
0x1b8: {  	v8 =	vld.idx.msk [tilespmem:v8+s6+$0x0], $0xffff  }
0x1b9: {  	v12 =	vmul.f32 v12, v12;
	v14 =	vadd.f32 v62, v16;
	v15 =	vsub.f32 v15, v17;
	v9 =	vld.idx.msk [tilespmem:v9+s13+$0x0], $0xffff  }
0x1ba: {  	v10 =	vld.idx.msk [tilespmem:v10+s6+$0x0], $0xffff  }
0x1bb: {  	v12 =	vadd.f32 v12, v14;
	v11 =	vsub.f32 v60, v61;
	v63 =	vmul.f32 v15, v15;
	_ =	sdelay $0x1  }
0x1bc: {  	v11 =	vmul.f32 v11, v11;
	v12 =	vadd.f32 v63, v12;
	v8 =	vsub.f32 v18, v8;
	_ =	sdelay $0x1  }
0x1bd: {  	v11 =	vadd.f32 v11, v12;
	v9 =	vsub.f32 v9, v10;
	v8 =	vmul.f32 v8, v8;
	_ =	sdelay $0x1  }
0x1be: {  	v9 =	vmul.f32 v9, v9;
	v8 =	vadd.f32 v8, v11;
	_ =	sdelay $0x1  }
0x1bf: {  	s21 =	sadd.s32 $0x1, s21;
	v8 =	vadd.f32 v9, v8  }
0x1c0: {  	p1 =	sne.s32 s21, s19  }
.Ltmp18:
0x1c1: {  	v8 =	vmax.f32 v8, $9.999999960e-13;
	(pc) =	sbr.rel @p1 .LBB2_24-.Ltmp18, $3  }
0x1c2: {  	v8 =	vmin.f32 v8, $9.999999950e+11  }
0x1c3: {  	v8 =	vnsel vm0, $0x0, v8  }
0x1c4: {  	v7 =	vadd.f32 v8, v7;
	_ =	sdelay $0x1  }
.LBB2_27:
0x1c5: {  	_ =	swait.ge [sflag:s14], $0x4000  }
0x1c6: {  	[sflag:s14] =	ssyncset.done $0x0  }
0x1c7: {  	[sflag:s14] =	ssyncadd.s32 $0xFFFFC000  }
0x1c8: {  	s18 =	sld [smem:$0xF8];
	_ =	sdelay $0x2  }
0x1c9: {  	s0 =	ssub.s32 s18, s17  }
0x1ca: {  	s0 =	sadd.s32 $0xF, s0  }
0x1cb: {  	s4 =	sand.u32 $0xF, s0  }
0x1cc: {  	s8 =	sshra.s32 s0, $0x1F;
	p1 =	slt.s32 s0, $0x1;
	p2 =	sne.s32 s4, $0x0  }
0x1cd: {  	s31 =	sshrl.u32 s8, $0x1C;
	p1 =	por !p1, !p2  }
0x1ce: {  	s4 =	simm.s32 $0x1;
	s0 =	sadd.s32 s31, s0;
	p1 =	por !p1, !p1  }
0x1cf: {  	s0 =	sshra.s32 s0, $0x4;
	s4 =	simm.s32 @!p1 $0x0  }
0x1d0: {  	s19 =	ssub.s32 s0, s4  }
0x1d1: {  	p1 =	slt.s32 s19, $0x1  }
.Ltmp19:
0x1d2: {  	_ = 	snop;
	(pc) =	sbr.rel @p1 .LBB2_31-.Ltmp19, $2  }
0x1d3: {  	_ =	sdelay $0x2  }
0x1d4: {  	s20 =	simm.s32 $0x0;
	s21 =	simm.s32 $0x0  }
.LBB2_28:
0x1d5: {  	s0 =	sshll.u32 s21, $0x4  }
0x1d6: {  	s0 =	sadd.s32 s17, s0  }
0x1d7: {  	v8 =	vadd.s32 s0, v6  }
0x1d8: {  	vm0 =	vgt.s32 v8, $0x0  }
0x1d9: {  	v8 =	vnsel vm0, $0x0, v8  }
0x1da: {  	v9 =	vmin.u32 v8, $0xFFF;
	_ =	sdelay $0x4  }
0x1db: {  	v9 =	vld.idx.msk [tilespmem:v9+s29+$0x0], $0xffff;
	_ =	sdelay $0x4  }
0x1dc: {  	v9 =	vsub.s32 v9, v2  }
0x1dd: {  	s0 =	ssub.s32 s18, s0;
	vm0 =	vgt.s32 v9, $0x0  }
0x1de: {  	v10 =	vmov s0;
	v9 =	vnsel vm0, $0x0, v9  }
0x1df: {  	v11 =	vmov s20;
	vm0 =	vgt.s32 v10, v6;
	v9 =	vmin.u32 v9, $0xFF  }
0x1e0: {  	v14 =	vshll.u32 v11, $0x7;
	v10 =	vnsel vm0, $0x0, v9  }
0x1e1: {  	v11 =	vshll.u32 v11, $0x8;
	v8 =	vmin.u32 v8, $0x2FF;
	v9 =	vshll.u32 v10, $0x3  }
0x1e2: {  	v8 =	vshll.u32 v8, $0x6;
	v12 =	vand.u32 $0x7F, v10;
	v13 =	vand.u32 $0x400, v9  }
0x1e3: {  	v15 =	vor.u32 s20, v8;
	v9 =	vor.u32 v13, v12;
	v12 =	vand.u32 $0x300, v14  }
0x1e4: {  	v14 =	vand.u32 $0x3800, v11;
	v13 =	vor.u32 v13, v10;
	v11 =	vor.u32 v9, v12  }
0x1e5: {  	s31 =	simm.s32 $0x2;
	v10 =	vor.u32 $0x1, v8;
	v16 =	vor.u32 v14, v11;
	v11 =	vor.u32 $0x80, v13  }
0x1e6: {  	v17 =	vor.u32 s20, v10;
	v13 =	vmov s31;
	v12 =	vor.u32 v11, v12  }
0x1e7: {  	v18 =	vshll.u32 v13, $0x7;
	v14 =	vor.u32 v14, v12  }
0x1e8: {  	v13 =	vshll.u32 v13, $0x8;
	v18 =	vand.u32 $0x300, v18  }
0x1e9: {  	v22 =	vor.u32 s31, v8;
	v24 =	vld.idx.msk [tilespmem:v15+s13+$0x0], $0xffff;
	v19 =	vand.u32 $0x3800, v13;
	v12 =	vor.u32 v9, v18  }
0x1ea: {  	v26 =	vor.u32 v19, v12;
	v25 =	vld.idx.msk [tilespmem:v16+s10+$0x0], $0xffff  }
0x1eb: {  	s4 =	simm.s32 $0x4;
	v13 =	vor.u32 s31, v10;
	v12 =	vld.idx.msk [tilespmem:v17+s13+$0x0], $0xffff;
	v17 =	vor.u32 v11, v18  }
0x1ec: {  	v15 =	vmov s4;
	v19 =	vor.u32 v19, v17;
	v14 =	vld.idx.msk [tilespmem:v14+s10+$0x0], $0xffff  }
0x1ed: {  	v18 =	vshll.u32 v15, $0x8;
	v15 =	vshll.u32 v15, $0x7  }
0x1ee: {  	v16 =	vimm.f32 $0.0e+00;
	v20 =	vand.u32 $0x3800, v18;
	v21 =	vand.u32 $0x300, v15;
	v15 =	vld.idx.msk [tilespmem:v22+s13+$0x0], $0xffff  }
0x1ef: {  	s0 =	simm.s32 $0x6;
	v18 =	vor.u32 s4, v8;
	v23 =	vor.u32 v9, v21;
	v17 =	vld.idx.msk [tilespmem:v26+s10+$0x0], $0xffff;
	v22 =	vsub.f32 v24, v25  }
.LBB2_29:
0x1f0: {  	v24 =	vmov s0;
	v25 =	vor.u32 v20, v23;
	v23 =	vmovc v12;
	v12 =	vld.idx.msk [tilespmem:v13+s13+$0x0], $0xffff;
	v13 =	vor.u32 s4, v10;
	s4 =	smov.u32 s0;
	p1 =	sne.s32 s0, $0x3E  }
.Ltmp20:
0x1f1: {  	v21 =	vor.u32 v11, v21;
	v23 =	vsub.f32 v23, v14;
	v14 =	vld.idx.msk [tilespmem:v19+s10+$0x0], $0xffff;
	v27 =	vmul.f32 v22, v22;
	(pc) =	sbr.rel @p1 .LBB2_29-.Ltmp20, $4  }
0x1f2: {  	s0 =	sadd.s32 $0x2, s0;
	v26 =	vshll.u32 v24, $0x8;
	v19 =	vor.u32 v20, v21  }
0x1f3: {  	v21 =	vshll.u32 v24, $0x7;
	v16 =	vadd.f32 v27, v16;
	v24 =	vmul.f32 v23, v23  }
0x1f4: {  	v20 =	vand.u32 $0x3800, v26;
	v21 =	vand.u32 $0x300, v21;
	v22 =	vmovc v15;
	v15 =	vld.idx.msk [tilespmem:v18+s13+$0x0], $0xffff;
	v18 =	vor.u32 s4, v8  }
0x1f5: {  	v23 =	vor.u32 v9, v21;
	v22 =	vsub.f32 v22, v17;
	v17 =	vld.idx.msk [tilespmem:v25+s10+$0x0], $0xffff;
	v16 =	vadd.f32 v24, v16  }
0x1f6: {  	_ =	sdelay $0x1  }
0x1f7: {  	v8 =	vor.u32 v20, v23  }
0x1f8: {  	v9 =	vor.u32 s4, v10;
	v59 =	vor.u32 v11, v21  }
0x1f9: {  	v60 =	vld.idx.msk [tilespmem:v13+s13+$0x0], $0xffff;
	v10 =	vor.u32 v20, v59  }
0x1fa: {  	v61 =	vld.idx.msk [tilespmem:v19+s10+$0x0], $0xffff  }
0x1fb: {  	v12 =	vsub.f32 v12, v14;
	v18 =	vld.idx.msk [tilespmem:v18+s13+$0x0], $0xffff;
	v62 =	vmul.f32 v22, v22  }
0x1fc: {  	v8 =	vld.idx.msk [tilespmem:v8+s10+$0x0], $0xffff  }
0x1fd: {  	v12 =	vmul.f32 v12, v12;
	v14 =	vadd.f32 v62, v16;
	v15 =	vsub.f32 v15, v17;
	v9 =	vld.idx.msk [tilespmem:v9+s13+$0x0], $0xffff  }
0x1fe: {  	v10 =	vld.idx.msk [tilespmem:v10+s10+$0x0], $0xffff  }
0x1ff: {  	v12 =	vadd.f32 v12, v14;
	v11 =	vsub.f32 v60, v61;
	v63 =	vmul.f32 v15, v15;
	_ =	sdelay $0x1  }
0x200: {  	v11 =	vmul.f32 v11, v11;
	v12 =	vadd.f32 v63, v12;
	v8 =	vsub.f32 v18, v8;
	_ =	sdelay $0x1  }
0x201: {  	v11 =	vadd.f32 v11, v12;
	v9 =	vsub.f32 v9, v10;
	v8 =	vmul.f32 v8, v8;
	_ =	sdelay $0x1  }
0x202: {  	v9 =	vmul.f32 v9, v9;
	v8 =	vadd.f32 v8, v11;
	_ =	sdelay $0x1  }
0x203: {  	s21 =	sadd.s32 $0x1, s21;
	v8 =	vadd.f32 v9, v8  }
0x204: {  	p1 =	sne.s32 s21, s19  }
.Ltmp21:
0x205: {  	v8 =	vmax.f32 v8, $9.999999960e-13;
	(pc) =	sbr.rel @p1 .LBB2_28-.Ltmp21, $3  }
0x206: {  	v8 =	vmin.f32 v8, $9.999999950e+11  }
0x207: {  	v8 =	vnsel vm0, $0x0, v8  }
0x208: {  	v7 =	vadd.f32 v8, v7;
	_ =	sdelay $0x1  }
.LBB2_31:
0x209: {  	s4 =	smov.u32 s18  }
0x20a: {  	s4 =	smov.u32 @p0 s16  }
0x20b: {  	s0 =	ssub.s32 s4, s18  }
0x20c: {  	s0 =	sadd.s32 $0xF, s0  }
0x20d: {  	s8 =	sand.u32 $0xF, s0  }
0x20e: {  	s22 =	sshra.s32 s0, $0x1F;
	p1 =	slt.s32 s0, $0x1;
	p2 =	sne.s32 s8, $0x0  }
0x20f: {  	s31 =	sshrl.u32 s22, $0x1C;
	p1 =	por !p1, !p2  }
0x210: {  	s8 =	simm.s32 $0x1;
	s0 =	sadd.s32 s31, s0;
	p1 =	por !p1, !p1  }
0x211: {  	s0 =	sshra.s32 s0, $0x4;
	s8 =	simm.s32 @!p1 $0x0  }
0x212: {  	s16 =	ssub.s32 s0, s8  }
0x213: {  	p1 =	slt.s32 s16, $0x1  }
.Ltmp22:
0x214: {  	_ = 	snop;
	(pc) =	sbr.rel @p1 .LBB2_35-.Ltmp22, $2  }
0x215: {  	_ =	sdelay $0x2  }
0x216: {  	s17 =	simm.s32 $0x0;
	s19 =	simm.s32 $0x0  }
.LBB2_32:
0x217: {  	s0 =	sshll.u32 s19, $0x4  }
0x218: {  	s0 =	sadd.s32 s18, s0  }
0x219: {  	v8 =	vadd.s32 s0, v6  }
0x21a: {  	vm0 =	vgt.s32 v8, $0x0  }
0x21b: {  	v8 =	vnsel vm0, $0x0, v8  }
0x21c: {  	v9 =	vmin.u32 v8, $0xFFF;
	_ =	sdelay $0x4  }
0x21d: {  	v9 =	vld.idx.msk [tilespmem:v9+s29+$0x0], $0xffff;
	_ =	sdelay $0x4  }
0x21e: {  	s0 =	ssub.s32 s4, s0;
	v9 =	vadd.s32 $0xFFF0BE00, v9  }
0x21f: {  	v10 =	vmov s0;
	vm1 =	vgt.s32 v9, $0x0  }
0x220: {  	vm0 =	vgt.s32 v10, v6;
	v8 =	vmin.u32 v8, $0x2FF;
	v9 =	vnsel vm1, $0x0, v9  }
0x221: {  	v10 =	vmov s17;
	v8 =	vshll.u32 v8, $0x6;
	v9 =	vmin.u32 v9, $0x3F  }
0x222: {  	v13 =	vshll.u32 v10, $0x7;
	v12 =	vor.u32 s17, v8;
	v9 =	vnsel vm0, $0x0, v9  }
0x223: {  	v10 =	vor.u32 $0x1, v8;
	v14 =	vor.u32 v9, v13  }
0x224: {  	v15 =	vor.u32 s17, v10;
	v11 =	vor.u32 $0x80, v9  }
0x225: {  	v13 =	vor.u32 v11, v13  }
0x226: {  	s22 =	simm.s32 $0x2  }
0x227: {  	v16 =	vmov s22;
	v12 =	vld.idx.msk [tilespmem:v12+s13+$0x0], $0xffff  }
0x228: {  	v16 =	vshll.u32 v16, $0x7;
	v17 =	vor.u32 s22, v8;
	v14 =	vld.idx.msk [tilespmem:v14+s24+$0x0], $0xffff  }
0x229: {  	v15 =	vld.idx.msk [tilespmem:v15+s13+$0x0], $0xffff;
	v18 =	vor.u32 v9, v16  }
0x22a: {  	v20 =	vor.u32 s22, v10;
	v19 =	vld.idx.msk [tilespmem:v13+s24+$0x0], $0xffff  }
0x22b: {  	s31 =	simm.s32 $0x4;
	v21 =	vor.u32 v11, v16  }
0x22c: {  	v13 =	vmov s31  }
0x22d: {  	v16 =	vor.u32 s31, v8;
	v23 =	vshll.u32 v13, $0x7;
	v14 =	vsub.f32 v12, v14;
	v12 =	vld.idx.msk [tilespmem:v17+s13+$0x0], $0xffff  }
0x22e: {  	v13 =	vld.idx.msk [tilespmem:v18+s24+$0x0], $0xffff;
	v18 =	vor.u32 v9, v23  }
0x22f: {  	v17 =	vor.u32 s31, v10;
	v24 =	vsub.f32 v15, v19;
	v25 =	vmul.f32 v14, v14;
	v14 =	vld.idx.msk [tilespmem:v20+s13+$0x0], $0xffff  }
0x230: {  	v22 =	vimm.f32 $0.0e+00;
	v15 =	vld.idx.msk [tilespmem:v21+s24+$0x0], $0xffff;
	v19 =	vor.u32 v11, v23  }
0x231: {  	s0 =	simm.s32 $0x6;
	v21 =	vmul.f32 v24, v24;
	v20 =	vadd.f32 v25, v22  }
.LBB2_33:
0x232: {  	v22 =	vmov s0;
	p1 =	sne.s32 s0, $0x3E;
	v23 =	vmov v12;
	v12 =	vld.idx.msk [tilespmem:v16+s13+$0x0], $0xffff;
	v16 =	vor.u32 s0, v8;
	s8 =	smov.u32 s0;
	s0 =	sadd.s32 $0x2, s0  }
.Ltmp23:
0x233: {  	v22 =	vshll.u32 v22, $0x7;
	v23 =	vsub.f32 v23, v13;
	v13 =	vld.idx.msk [tilespmem:v18+s24+$0x0], $0xffff;
	v20 =	vadd.f32 v21, v20;
	(pc) =	sbr.rel @p1 .LBB2_33-.Ltmp23, $4  }
0x234: {  	v21 =	vmov v14;
	v18 =	vor.u32 v9, v22;
	v14 =	vld.idx.msk [tilespmem:v17+s13+$0x0], $0xffff  }
0x235: {  	v17 =	vor.u32 s8, v10;
	v21 =	vsub.f32 v21, v15;
	v15 =	vld.idx.msk [tilespmem:v19+s24+$0x0], $0xffff;
	v23 =	vmul.f32 v23, v23  }
0x236: {  	v19 =	vor.u32 v11, v22  }
0x237: {  	v21 =	vmul.f32 v21, v21;
	v20 =	vadd.f32 v23, v20  }
0x238: {  	_ =	sdelay $0x3  }
0x239: {  	v8 =	vld.idx.msk [tilespmem:v16+s13+$0x0], $0xffff  }
0x23a: {  	v9 =	vld.idx.msk [tilespmem:v18+s24+$0x0], $0xffff  }
0x23b: {  	v10 =	vsub.f32 v12, v13;
	v11 =	vld.idx.msk [tilespmem:v17+s13+$0x0], $0xffff  }
0x23c: {  	v58 =	vld.idx.msk [tilespmem:v19+s24+$0x0], $0xffff  }
0x23d: {  	v59 =	vadd.f32 v21, v20;
	v14 =	vsub.f32 v14, v15;
	v10 =	vmul.f32 v10, v10;
	_ =	sdelay $0x1  }
0x23e: {  	v10 =	vadd.f32 v10, v59;
	v60 =	vmul.f32 v14, v14;
	v8 =	vsub.f32 v8, v9;
	_ =	sdelay $0x1  }
0x23f: {  	v62 =	vsub.f32 v11, v58;
	v61 =	vadd.f32 v60, v10;
	v8 =	vmul.f32 v8, v8;
	_ =	sdelay $0x1  }
0x240: {  	v63 =	vmul.f32 v62, v62;
	v8 =	vadd.f32 v8, v61  }
0x241: {  	s19 =	sadd.s32 $0x1, s19  }
0x242: {  	p1 =	sne.s32 s19, s16;
	v8 =	vadd.f32 v63, v8  }
.Ltmp24:
0x243: {  	_ = 	snop;
	(pc) =	sbr.rel @p1 .LBB2_32-.Ltmp24, $4  }
.Ltmp25:
0x244: {  	v8 =	vmax.f32 v8, $9.999999960e-13;
	(pc) =	sbr.rel @!p1 .LBB2_35-.Ltmp25, $4  }
0x245: {  	v8 =	vmin.f32 v8, $9.999999950e+11  }
0x246: {  	v8 =	vnsel vm0, $0x0, v8  }
0x247: {  	v7 =	vadd.f32 v8, v7  }
0x248: {  	_ = 	snop  }
.LBB2_36:
0x249: {  	_ =	sfence.sel $0x180000  }
0x24a: {  	[bflag:$0x0] =	sbarrier.arrive $0xFFFF  }
0x24b: {  	_ =	strace $0x90000047  }
0x24c: {  	s0 =	stileid.u32;
	[bflag:$0x2] =	sbarrier.arrive $0xFFFF  }
0x24d: {  	p0 =	sne.s32 s0, $0x0;
	s0 =	rddreg [dreg:$0x5]  }
0x24e: {  	s0 =	sadd.s32 @!p0 $0x100000, s0  }
0x24f: {  	[sflag:s0] =	ssyncadd.tile.s32 @!p0 $0x1;
	_ =	shalt  }
.Lfunc_end2:
_tile_overlayer_lowered:
.L_overlay_start_2:
0x250: {  	(tag) =	ssettag $0x2  }
0x251: {  	s0 =	rddreg [dreg:$0x0];
	s2 =	stileid.u32  }
0x252: {  	s1 =	rddreg [dreg:$0x1];
	p0 =	sne.s32 s2, $0x0  }
0x253: {  	s3 =	rddreg [dreg:$0x2];
	[bflag:$0x3] =	sbarrier.arrive $0xFFFF;
	s2 =	simm.s32 @!p0 $0x1C04  }
0x254: {  	[timem:s3], [sflag:s2] =	dma.local @!p0 [hbm:s0], s1  }
0x255: {  	s0 =	simm.s32 @!p0 $0x4  }
0x256: {  	_ =	swait.ge @!p0 [sflag:s0], s1  }
0x257: {  	s1 =	ssub.s32 @!p0 $0x0, s1;
	[sflag:s0] =	ssyncset.done @!p0 $0x0  }
0x258: {  	[sflag:s0] =	ssyncadd.s32 @!p0 s1  }
0x259: {  	[bflag:$0x3] =	sbarrier.arrive $0xFFFF  }
0x25a: {  	_ =	shalt  }

</sc_bundles>
